<compile_context>
chip_gen: v7x
topology: tpu7x:2x2x1
jax: 0.10.2.dev20260603
libtpu: 0.0.44.dev20260713+nightly
codegen_flags: <defaults>
</compile_context>

<pallas_src>
import functools
import math

import jax
import jax.numpy as jnp
import numpy as np
from jax import lax
from jax.experimental import pallas as pl
from jax.experimental.pallas import tpu as pltpu, tpu_sc as plsc

EMBED_DIM = 128
SEQ = 2048
BATCH = 4
SCALE = math.sqrt(EMBED_DIM)

NW = 32
ROWS = BATCH * SEQ
RPW = ROWS // NW
CHUNK = 128
CPW = RPW // CHUNK
WPB = SEQ // RPW
L = 16


def _pe_const():
    position_id = np.arange(0, SEQ, dtype=np.float32)[:, None]
    frequencies = np.power(
        10000.0, -np.arange(0, EMBED_DIM, 2, dtype=np.float32) / EMBED_DIM)
    sin_part = np.sin(position_id * frequencies)
    cos_part = np.cos(position_id * frequencies)
    pe = np.stack([sin_part, cos_part], axis=-1).reshape(SEQ, EMBED_DIM)
    bf = pe.astype(jnp.bfloat16)
    u16 = np.asarray(bf).view(np.uint16).reshape(SEQ, EMBED_DIM // 32, 2, L)
    words = u16[:, :, 0, :].astype(np.uint32) | (
        u16[:, :, 1, :].astype(np.uint32) << 16)
    return words.reshape(SEQ, EMBED_DIM // 2).view(np.int32)


_PE_PACKED = _pe_const()


@functools.partial(
    pl.kernel,
    mesh=plsc.VectorSubcoreMesh(core_axis_name="c", subcore_axis_name="s"),
    out_type=(
        jax.ShapeDtypeStruct((BATCH, SEQ, EMBED_DIM), jnp.float32),
        jax.ShapeDtypeStruct((BATCH, SEQ, EMBED_DIM), jnp.float32),
    ),
    scratch_types=[
        pltpu.VMEM((RPW,), jnp.int32),
        pltpu.VMEM((RPW,), jnp.int32),
        pltpu.VMEM((RPW, EMBED_DIM // 2), jnp.int32),
        pltpu.VMEM((RPW, EMBED_DIM), jnp.float32),
        pltpu.VMEM((RPW, EMBED_DIM), jnp.float32),
        pltpu.SemaphoreType.DMA,
        pltpu.SemaphoreType.DMA,
        pltpu.SemaphoreType.DMA,
        pltpu.SemaphoreType.DMA,
        pltpu.SemaphoreType.DMA,
        pltpu.SemaphoreType.DMA,
        pltpu.SemaphoreType.DMA,
    ],
)
def _sc_embed(src_ids, tgt_ids, src_tab, tgt_tab, pe,
              src_out, tgt_out,
              idx_s, idx_t, pe_v, rows_s, rows_t,
              sem_s, sem_t, sem_p, sem_i, sem_it, sem_os, sem_ot):
    cid = lax.axis_index("c")
    sid = lax.axis_index("s")
    wid = sid * 2 + cid
    b = wid // WPB
    s0 = lax.rem(wid, WPB) * RPW

    p0 = pl.multiple_of(s0, RPW)
    cp_is = pltpu.async_copy(src_ids.at[b, pl.ds(s0, RPW)], idx_s, sem_i)
    cp_it = pltpu.async_copy(tgt_ids.at[b, pl.ds(s0, RPW)], idx_t, sem_it)
    cp_pe = pltpu.async_copy(pe.at[pl.ds(p0, RPW)], pe_v, sem_p)
    cp_is.wait()
    cps = [pltpu.async_copy(src_tab.at[idx_s.at[pl.ds(j * CHUNK, CHUNK)]],
                            rows_s.at[pl.ds(j * CHUNK, CHUNK)], sem_s)
           for j in range(CPW)]
    cp_it.wait()
    cpt = [pltpu.async_copy(tgt_tab.at[idx_t.at[pl.ds(j * CHUNK, CHUNK)]],
                            rows_t.at[pl.ds(j * CHUNK, CHUNK)], sem_t)
           for j in range(CPW)]

    hi_mask = jnp.int32(-65536)

    def fma_chunk(rows_ref, j):
        def body(r, _):
            for h in range(EMBED_DIM // (2 * L)):
                pv = pe_v[r, pl.ds(h * L, L)]
                pa = lax.bitcast_convert_type(
                    lax.shift_left(pv, 16), jnp.float32)
                pb = lax.bitcast_convert_type(
                    lax.bitwise_and(pv, hi_mask), jnp.float32)
                sl0 = pl.ds(h * 2 * L, L)
                sl1 = pl.ds(h * 2 * L + L, L)
                rows_ref[r, sl0] = rows_ref[r, sl0] * SCALE + pa
                rows_ref[r, sl1] = rows_ref[r, sl1] * SCALE + pb
            return 0
        lax.fori_loop(j * CHUNK, (j + 1) * CHUNK, body, 0)

    cp_pe.wait()
    sts = []
    for j in range(CPW):
        cps[j].wait()
        fma_chunk(rows_s, j)
        sts.append(pltpu.async_copy(
            rows_s.at[pl.ds(j * CHUNK, CHUNK)],
            src_out.at[b, pl.ds(s0 + j * CHUNK, CHUNK)], sem_os))
    for j in range(CPW):
        cpt[j].wait()
        fma_chunk(rows_t, j)
        sts.append(pltpu.async_copy(
            rows_t.at[pl.ds(j * CHUNK, CHUNK)],
            tgt_out.at[b, pl.ds(s0 + j * CHUNK, CHUNK)], sem_ot))
    for st in sts:
        st.wait()


def kernel(src_token_ids_batch, tgt_token_ids_batch, src_table, tgt_table):
    pe = jnp.asarray(_PE_PACKED)
    src_ids = src_token_ids_batch.astype(jnp.int32)
    tgt_ids = tgt_token_ids_batch.astype(jnp.int32)
    return _sc_embed(src_ids, tgt_ids, src_table, tgt_table, pe)

# --- scband reference (transcript-rebuilt; emitter-appended) ---
"""Pipeline reference for scband-input-layer-49658411876566 (READ-ONLY COPY).

The authoritative reference and input builder live on the scoring server;
editing this copy changes nothing except your own understanding.
"""

import jax, jax.numpy as jnp
import numpy as np
import math

VOCAB_SRC = 1000000
VOCAB_TGT = 1000000
EMBED_DIM = 128
BATCH = 4
SEQ = 2048


def _pos_encoding_table(max_len, d):
    position_id = jnp.arange(0, max_len, dtype=jnp.float32)[:, None]
    frequencies = jnp.power(10000.0, -jnp.arange(0, d, 2, dtype=jnp.float32) / d)
    sin_part = jnp.sin(position_id * frequencies)  # [max_len, d/2]
    cos_part = jnp.cos(position_id * frequencies)  # [max_len, d/2]
    # interleave so table[:, 0::2] = sin, table[:, 1::2] = cos
    table = jnp.stack([sin_part, cos_part], axis=-1).reshape(max_len, d)
    return table


def setup_inputs(seed: int = 0) -> dict:
    key = jax.random.key(seed)
    k1, k2, k3, k4 = jax.random.split(key, 4)
    src_token_ids_batch = jax.random.randint(k1, (BATCH, SEQ), 0, VOCAB_SRC, dtype=jnp.int64 if jax.config.jax_enable_x64 else jnp.int32)
    tgt_token_ids_batch = jax.random.randint(k2, (BATCH, SEQ), 0, VOCAB_TGT, dtype=jnp.int64 if jax.config.jax_enable_x64 else jnp.int32)
    src_table = jax.random.normal(k3, (VOCAB_SRC, EMBED_DIM), dtype=jnp.float32)
    tgt_table = jax.random.normal(k4, (VOCAB_TGT, EMBED_DIM), dtype=jnp.float32)
    return {
        "src_token_ids_batch": src_token_ids_batch,
        "tgt_token_ids_batch": tgt_token_ids_batch,
        "src_table": src_table,
        "tgt_table": tgt_table,
    }


def reference(src_token_ids_batch, tgt_token_ids_batch, src_table, tgt_table):
    scale = math.sqrt(EMBED_DIM)
    # src path: embedding lookup (gather) scaled by sqrt(d), then positional encoding add
    src_emb = jnp.take(src_table, src_token_ids_batch, axis=0) * scale
    src_pe = _pos_encoding_table(SEQ, EMBED_DIM)[: src_emb.shape[1]]
    src_out = src_emb + src_pe  # dropout p=0.0 -> identity
    # tgt path
    tgt_emb = jnp.take(tgt_table, tgt_token_ids_batch, axis=0) * scale
    tgt_pe = _pos_encoding_table(SEQ, EMBED_DIM)[: tgt_emb.shape[1]]
    tgt_out = tgt_emb + tgt_pe
    return (src_out, tgt_out)

if __name__ == "__main__":
    import jax
    _d = setup_inputs()
    print(jax.jit(kernel)(*tuple(_d.values())))

</pallas_src>

<mosaic_0001>
#map = affine_map<(d0, d1) -> (0, 0)>
#map1 = affine_map<(d0, d1) -> (0, 0, 0)>
module attributes {stable_mosaic.version = 14 : i64} {
  func.func @_sc_embed(%arg0: i32, %arg1: i32, %arg2: memref<4x2048xi32, #tpu.memory_space<hbm>>, %arg3: memref<4x2048xi32, #tpu.memory_space<hbm>>, %arg4: memref<1000000x128xf32, #tpu.memory_space<hbm>>, %arg5: memref<1000000x128xf32, #tpu.memory_space<hbm>>, %arg6: memref<2048x64xi32, #tpu.memory_space<hbm>>, %arg7: memref<4x2048x128xf32, #tpu.memory_space<hbm>>, %arg8: memref<4x2048x128xf32, #tpu.memory_space<hbm>>, %arg9: memref<256xi32, #tpu.memory_space<vmem>>, %arg10: memref<256xi32, #tpu.memory_space<vmem>>, %arg11: memref<256x64xi32, #tpu.memory_space<vmem>>, %arg12: memref<256x128xf32, #tpu.memory_space<vmem>>, %arg13: memref<256x128xf32, #tpu.memory_space<vmem>>, %arg14: memref<!tpu.dma_semaphore, #tpu.memory_space<semaphore_mem>>, %arg15: memref<!tpu.dma_semaphore, #tpu.memory_space<semaphore_mem>>, %arg16: memref<!tpu.dma_semaphore, #tpu.memory_space<semaphore_mem>>, %arg17: memref<!tpu.dma_semaphore, #tpu.memory_space<semaphore_mem>>, %arg18: memref<!tpu.dma_semaphore, #tpu.memory_space<semaphore_mem>>, %arg19: memref<!tpu.dma_semaphore, #tpu.memory_space<semaphore_mem>>, %arg20: memref<!tpu.dma_semaphore, #tpu.memory_space<semaphore_mem>>) attributes {dimension_semantics = [#tpu.dimension_semantics<core_parallel>, #tpu.dimension_semantics<subcore_parallel>], iteration_bounds = array<i64: 2, 16>, scalar_prefetch = 0 : i64, scratch_operands = 12 : i64, tpu.core_type = #tpu.core_type<sc_vector_subcore>, window_params = [{transform_indices = #map}, {transform_indices = #map}, {transform_indices = #map}, {transform_indices = #map}, {transform_indices = #map}, {transform_indices = #map1}, {transform_indices = #map1}]} {
    %mul3A = arith.constant 2 : i32
    %mul3A_0 = arith.muli %arg1, %mul3A : i32
    %add3A = arith.addi %mul3A_0, %arg0 : i32
    %jit3A = arith.constant 8 : i32
    %div3A = arith.divsi %add3A, %jit3A : i32
    %sign3A = arith.constant 0 : i32
    %sign3A_1 = arith.cmpi sgt, %add3A, %sign3A : i32
    %sign3A_2 = arith.extui %sign3A_1 : i1 to i32
    %sign3A_3 = arith.constant 0 : i32
    %sign3A_4 = arith.cmpi slt, %add3A, %sign3A_3 : i32
    %sign3A_5 = arith.extui %sign3A_4 : i1 to i32
    %sign3A_6 = arith.subi %sign3A_2, %sign3A_5 : i32
    %sign3A_7 = arith.constant 0 : i32
    %sign3A_8 = arith.cmpi sgt, %jit3A, %sign3A_7 : i32
    %sign3A_9 = arith.extui %sign3A_8 : i1 to i32
    %sign3A_10 = arith.constant 0 : i32
    %sign3A_11 = arith.cmpi slt, %jit3A, %sign3A_10 : i32
    %sign3A_12 = arith.extui %sign3A_11 : i1 to i32
    %sign3A_13 = arith.subi %sign3A_9, %sign3A_12 : i32
    %ne3A = arith.cmpi ne, %sign3A_6, %sign3A_13 : i32
    %rem3A = arith.remsi %add3A, %jit3A : i32
    %ne3A_14 = arith.constant 0 : i32
    %ne3A_15 = arith.cmpi ne, %rem3A, %ne3A_14 : i32
    %and3A = arith.andi %ne3A, %ne3A_15 : i1
    %sub3A = arith.constant 1 : i32
    %sub3A_16 = arith.subi %div3A, %sub3A : i32
    %select_n3A = arith.select %and3A, %sub3A_16, %div3A : i32
    %rem3A_17 = arith.constant 8 : i32
    %rem3A_18 = arith.remsi %add3A, %rem3A_17 : i32
    %mul3A_19 = arith.constant 256 : i32
    %mul3A_20 = arith.muli %rem3A_18, %mul3A_19 : i32
    %multiple_of3A = tpu.assume_multiple %mul3A_20, 256 : i32
    %dma_start3A = tpu.memref_slice %arg2[%select_n3A, %mul3A_20] : memref<4x2048xi32, #tpu.memory_space<hbm>> -> memref<1x256xi32, #tpu.memory_space<hbm>>
    %dma_start3A_21 = tpu.memref_squeeze %dma_start3A : memref<1x256xi32, #tpu.memory_space<hbm>> -> memref<256xi32, #tpu.memory_space<hbm>>
    %dma_start3A_22 = tpu.memref_slice %arg2[%select_n3A, %mul3A_20] : memref<4x2048xi32, #tpu.memory_space<hbm>> -> memref<1x256xi32, #tpu.memory_space<hbm>>
    %dma_start3A_23 = tpu.memref_squeeze %dma_start3A_22 : memref<1x256xi32, #tpu.memory_space<hbm>> -> memref<256xi32, #tpu.memory_space<hbm>>
    tpu.enqueue_dma source(%dma_start3A_23 : memref<256xi32, #tpu.memory_space<hbm>>) target(%arg9 : memref<256xi32, #tpu.memory_space<vmem>>) target_semaphore(%arg17 : memref<!tpu.dma_semaphore, #tpu.memory_space<semaphore_mem>>)
    %dma_start3A_24 = tpu.memref_slice %arg3[%select_n3A, %mul3A_20] : memref<4x2048xi32, #tpu.memory_space<hbm>> -> memref<1x256xi32, #tpu.memory_space<hbm>>
    %dma_start3A_25 = tpu.memref_squeeze %dma_start3A_24 : memref<1x256xi32, #tpu.memory_space<hbm>> -> memref<256xi32, #tpu.memory_space<hbm>>
    %dma_start3A_26 = tpu.memref_slice %arg3[%select_n3A, %mul3A_20] : memref<4x2048xi32, #tpu.memory_space<hbm>> -> memref<1x256xi32, #tpu.memory_space<hbm>>
    %dma_start3A_27 = tpu.memref_squeeze %dma_start3A_26 : memref<1x256xi32, #tpu.memory_space<hbm>> -> memref<256xi32, #tpu.memory_space<hbm>>
    tpu.enqueue_dma source(%dma_start3A_27 : memref<256xi32, #tpu.memory_space<hbm>>) target(%arg10 : memref<256xi32, #tpu.memory_space<vmem>>) target_semaphore(%arg18 : memref<!tpu.dma_semaphore, #tpu.memory_space<semaphore_mem>>)
    %dma_start3A_28 = arith.constant 0 : i32
    %dma_start3A_29 = tpu.memref_slice %arg6[%multiple_of3A, %dma_start3A_28] : memref<2048x64xi32, #tpu.memory_space<hbm>> -> memref<256x64xi32, #tpu.memory_space<hbm>>
    %dma_start3A_30 = arith.constant 0 : i32
    %dma_start3A_31 = tpu.memref_slice %arg6[%multiple_of3A, %dma_start3A_30] : memref<2048x64xi32, #tpu.memory_space<hbm>> -> memref<256x64xi32, #tpu.memory_space<hbm>>
    tpu.enqueue_dma source(%dma_start3A_31 : memref<256x64xi32, #tpu.memory_space<hbm>>) target(%arg11 : memref<256x64xi32, #tpu.memory_space<vmem>>) target_semaphore(%arg16 : memref<!tpu.dma_semaphore, #tpu.memory_space<semaphore_mem>>)
    %dma_wait3A = tpu.memref_slice %arg2[%select_n3A, %mul3A_20] : memref<4x2048xi32, #tpu.memory_space<hbm>> -> memref<1x256xi32, #tpu.memory_space<hbm>>
    %dma_wait3A_32 = tpu.memref_squeeze %dma_wait3A : memref<1x256xi32, #tpu.memory_space<hbm>> -> memref<256xi32, #tpu.memory_space<hbm>>
    %dma_wait3A_33 = tpu.memref_slice %arg2[%select_n3A, %mul3A_20] : memref<4x2048xi32, #tpu.memory_space<hbm>> -> memref<1x256xi32, #tpu.memory_space<hbm>>
    %dma_wait3A_34 = tpu.memref_squeeze %dma_wait3A_33 : memref<1x256xi32, #tpu.memory_space<hbm>> -> memref<256xi32, #tpu.memory_space<hbm>>
    tpu.wait_dma2 semaphore(%arg17 : memref<!tpu.dma_semaphore, #tpu.memory_space<semaphore_mem>>) src(%dma_wait3A_34 : memref<256xi32, #tpu.memory_space<hbm>>) dst(%arg9 : memref<256xi32, #tpu.memory_space<vmem>>)
    %dma_start3A_35 = arith.constant 0 : i32
    %dma_start3A_36 = arith.constant 0 : i32
    %dma_start3A_37 = tpu.memref_slice %arg12[%dma_start3A_35, %dma_start3A_36] : memref<256x128xf32, #tpu.memory_space<vmem>> -> memref<128x128xf32, #tpu.memory_space<vmem>>
    %dma_start3A_38 = arith.constant 0 : i32
    %dma_start3A_39 = tpu.memref_slice %arg9[%dma_start3A_38] : memref<256xi32, #tpu.memory_space<vmem>> -> memref<128xi32, #tpu.memory_space<vmem>>
    %dma_start3A_40 = arith.constant 0 : i32
    %dma_start3A_41 = arith.constant 0 : i32
    %dma_start3A_42 = tpu.memref_slice %arg4[%dma_start3A_40, %dma_start3A_41] : memref<1000000x128xf32, #tpu.memory_space<hbm>> -> memref<1000000x128xf32, #tpu.memory_space<hbm>>
    tpu.enqueue_indirect_dma source(%dma_start3A_42 : memref<1000000x128xf32, #tpu.memory_space<hbm>>) target(%dma_start3A_37 : memref<128x128xf32, #tpu.memory_space<vmem>>) offsets(%dma_start3A_39 : memref<128xi32, #tpu.memory_space<vmem>>) semaphore(%arg14 : memref<!tpu.dma_semaphore, #tpu.memory_space<semaphore_mem>>)
    %dma_start3A_43 = arith.constant 128 : i32
    %dma_start3A_44 = arith.constant 0 : i32
    %dma_start3A_45 = tpu.memref_slice %arg12[%dma_start3A_43, %dma_start3A_44] : memref<256x128xf32, #tpu.memory_space<vmem>> -> memref<128x128xf32, #tpu.memory_space<vmem>>
    %dma_start3A_46 = arith.constant 128 : i32
    %dma_start3A_47 = tpu.memref_slice %arg9[%dma_start3A_46] : memref<256xi32, #tpu.memory_space<vmem>> -> memref<128xi32, #tpu.memory_space<vmem>>
    %dma_start3A_48 = arith.constant 0 : i32
    %dma_start3A_49 = arith.constant 0 : i32
    %dma_start3A_50 = tpu.memref_slice %arg4[%dma_start3A_48, %dma_start3A_49] : memref<1000000x128xf32, #tpu.memory_space<hbm>> -> memref<1000000x128xf32, #tpu.memory_space<hbm>>
    tpu.enqueue_indirect_dma source(%dma_start3A_50 : memref<1000000x128xf32, #tpu.memory_space<hbm>>) target(%dma_start3A_45 : memref<128x128xf32, #tpu.memory_space<vmem>>) offsets(%dma_start3A_47 : memref<128xi32, #tpu.memory_space<vmem>>) semaphore(%arg14 : memref<!tpu.dma_semaphore, #tpu.memory_space<semaphore_mem>>)
    %dma_wait3A_51 = tpu.memref_slice %arg3[%select_n3A, %mul3A_20] : memref<4x2048xi32, #tpu.memory_space<hbm>> -> memref<1x256xi32, #tpu.memory_space<hbm>>
    %dma_wait3A_52 = tpu.memref_squeeze %dma_wait3A_51 : memref<1x256xi32, #tpu.memory_space<hbm>> -> memref<256xi32, #tpu.memory_space<hbm>>
    %dma_wait3A_53 = tpu.memref_slice %arg3[%select_n3A, %mul3A_20] : memref<4x2048xi32, #tpu.memory_space<hbm>> -> memref<1x256xi32, #tpu.memory_space<hbm>>
    %dma_wait3A_54 = tpu.memref_squeeze %dma_wait3A_53 : memref<1x256xi32, #tpu.memory_space<hbm>> -> memref<256xi32, #tpu.memory_space<hbm>>
    tpu.wait_dma2 semaphore(%arg18 : memref<!tpu.dma_semaphore, #tpu.memory_space<semaphore_mem>>) src(%dma_wait3A_54 : memref<256xi32, #tpu.memory_space<hbm>>) dst(%arg10 : memref<256xi32, #tpu.memory_space<vmem>>)
    %dma_start3A_55 = arith.constant 0 : i32
    %dma_start3A_56 = arith.constant 0 : i32
    %dma_start3A_57 = tpu.memref_slice %arg13[%dma_start3A_55, %dma_start3A_56] : memref<256x128xf32, #tpu.memory_space<vmem>> -> memref<128x128xf32, #tpu.memory_space<vmem>>
    %dma_start3A_58 = arith.constant 0 : i32
    %dma_start3A_59 = tpu.memref_slice %arg10[%dma_start3A_58] : memref<256xi32, #tpu.memory_space<vmem>> -> memref<128xi32, #tpu.memory_space<vmem>>
    %dma_start3A_60 = arith.constant 0 : i32
    %dma_start3A_61 = arith.constant 0 : i32
    %dma_start3A_62 = tpu.memref_slice %arg5[%dma_start3A_60, %dma_start3A_61] : memref<1000000x128xf32, #tpu.memory_space<hbm>> -> memref<1000000x128xf32, #tpu.memory_space<hbm>>
    tpu.enqueue_indirect_dma source(%dma_start3A_62 : memref<1000000x128xf32, #tpu.memory_space<hbm>>) target(%dma_start3A_57 : memref<128x128xf32, #tpu.memory_space<vmem>>) offsets(%dma_start3A_59 : memref<128xi32, #tpu.memory_space<vmem>>) semaphore(%arg15 : memref<!tpu.dma_semaphore, #tpu.memory_space<semaphore_mem>>)
    %dma_start3A_63 = arith.constant 128 : i32
    %dma_start3A_64 = arith.constant 0 : i32
    %dma_start3A_65 = tpu.memref_slice %arg13[%dma_start3A_63, %dma_start3A_64] : memref<256x128xf32, #tpu.memory_space<vmem>> -> memref<128x128xf32, #tpu.memory_space<vmem>>
    %dma_start3A_66 = arith.constant 128 : i32
    %dma_start3A_67 = tpu.memref_slice %arg10[%dma_start3A_66] : memref<256xi32, #tpu.memory_space<vmem>> -> memref<128xi32, #tpu.memory_space<vmem>>
    %dma_start3A_68 = arith.constant 0 : i32
    %dma_start3A_69 = arith.constant 0 : i32
    %dma_start3A_70 = tpu.memref_slice %arg5[%dma_start3A_68, %dma_start3A_69] : memref<1000000x128xf32, #tpu.memory_space<hbm>> -> memref<1000000x128xf32, #tpu.memory_space<hbm>>
    tpu.enqueue_indirect_dma source(%dma_start3A_70 : memref<1000000x128xf32, #tpu.memory_space<hbm>>) target(%dma_start3A_65 : memref<128x128xf32, #tpu.memory_space<vmem>>) offsets(%dma_start3A_67 : memref<128xi32, #tpu.memory_space<vmem>>) semaphore(%arg15 : memref<!tpu.dma_semaphore, #tpu.memory_space<semaphore_mem>>)
    %dma_wait3A_71 = arith.constant 0 : i32
    %dma_wait3A_72 = tpu.memref_slice %arg6[%multiple_of3A, %dma_wait3A_71] : memref<2048x64xi32, #tpu.memory_space<hbm>> -> memref<256x64xi32, #tpu.memory_space<hbm>>
    %dma_wait3A_73 = arith.constant 0 : i32
    %dma_wait3A_74 = tpu.memref_slice %arg6[%multiple_of3A, %dma_wait3A_73] : memref<2048x64xi32, #tpu.memory_space<hbm>> -> memref<256x64xi32, #tpu.memory_space<hbm>>
    tpu.wait_dma2 semaphore(%arg16 : memref<!tpu.dma_semaphore, #tpu.memory_space<semaphore_mem>>) src(%dma_wait3A_74 : memref<256x64xi32, #tpu.memory_space<hbm>>) dst(%arg11 : memref<256x64xi32, #tpu.memory_space<vmem>>)
    %dma_wait3A_75 = arith.constant 0 : i32
    %dma_wait3A_76 = arith.constant 0 : i32
    %dma_wait3A_77 = tpu.memref_slice %arg12[%dma_wait3A_75, %dma_wait3A_76] : memref<256x128xf32, #tpu.memory_space<vmem>> -> memref<128x128xf32, #tpu.memory_space<vmem>>
    %dma_wait3A_78 = arith.constant 0 : i32
    %dma_wait3A_79 = tpu.memref_slice %arg9[%dma_wait3A_78] : memref<256xi32, #tpu.memory_space<vmem>> -> memref<128xi32, #tpu.memory_space<vmem>>
    %dma_wait3A_80 = arith.constant 0 : i32
    %dma_wait3A_81 = arith.constant 0 : i32
    %dma_wait3A_82 = tpu.memref_slice %arg4[%dma_wait3A_80, %dma_wait3A_81] : memref<1000000x128xf32, #tpu.memory_space<hbm>> -> memref<1000000x128xf32, #tpu.memory_space<hbm>>
    tpu.wait_indirect_dma semaphore(%arg14 : memref<!tpu.dma_semaphore, #tpu.memory_space<semaphore_mem>>) src(%dma_wait3A_82 : memref<1000000x128xf32, #tpu.memory_space<hbm>>) dst(%dma_wait3A_77 : memref<128x128xf32, #tpu.memory_space<vmem>>)
    %scan3A = arith.constant -65536 : i32
    %scan3A_83 = arith.constant 0 : i32
    %scan3A_84 = arith.constant 0 : i32
    %scan3A_85 = arith.constant 128 : i32
    %scan3A_86 = arith.addi %scan3A_84, %scan3A_85 : i32
    %scan3A_87 = arith.constant 1 : i32
    %scan3A_88 = scf.for %scan3A_242 = %scan3A_84 to %scan3A_86 step %scan3A_87 iter_args(%scan3A_243 = %scan3A_83) -> (i32)  : i32 {
      %get3A = arith.index_cast %scan3A_242 : i32 to index
      %get3A_244 = arith.constant 0 : index
      %get3A_245 = tpu.vector_load %arg11[%get3A, %get3A_244] {strides = array<i32>} : memref<256x64xi32, #tpu.memory_space<vmem>>, vector<1x16xi32>,
      %get3A_246 = vector.shape_cast %get3A_245 : vector<1x16xi32> to vector<16xi32>
      %shift_left3A = arith.constant 16 : i32
      %shift_left3A_247 = vector.broadcast %shift_left3A : i32 to vector<16xi32>
      %shift_left3A_248 = arith.shli %get3A_246, %shift_left3A_247 : vector<16xi32>
      %bitcast_convert_type3A = tpu.bitcast %shift_left3A_248 : vector<16xi32> -> vector<16xf32>
      %and3A_249 = vector.broadcast %scan3A : i32 to vector<16xi32>
      %and3A_250 = arith.andi %get3A_246, %and3A_249 : vector<16xi32>
      %bitcast_convert_type3A_251 = tpu.bitcast %and3A_250 : vector<16xi32> -> vector<16xf32>
      %get3A_252 = arith.index_cast %scan3A_242 : i32 to index
      %get3A_253 = arith.constant 0 : index
      %get3A_254 = tpu.vector_load %arg12[%get3A_252, %get3A_253] {strides = array<i32>} : memref<256x128xf32, #tpu.memory_space<vmem>>, vector<1x16xf32>,
      %get3A_255 = vector.shape_cast %get3A_254 : vector<1x16xf32> to vector<16xf32>
      %mul3A_256 = arith.constant 11.3137083 : f32
      %mul3A_257 = vector.broadcast %mul3A_256 : f32 to vector<16xf32>
      %mul3A_258 = arith.mulf %get3A_255, %mul3A_257 : vector<16xf32>
      %add3A_259 = arith.addf %mul3A_258, %bitcast_convert_type3A : vector<16xf32>
      %swap3A = arith.index_cast %scan3A_242 : i32 to index
      %swap3A_260 = arith.constant 0 : index
      %swap3A_261 = tpu.vector_load %arg12[%swap3A, %swap3A_260] {strides = array<i32>} : memref<256x128xf32, #tpu.memory_space<vmem>>, vector<1x16xf32>,
      %swap3A_262 = vector.shape_cast %swap3A_261 : vector<1x16xf32> to vector<16xf32>
      %swap3A_263 = vector.shape_cast %add3A_259 : vector<16xf32> to vector<1x16xf32>
      tpu.vector_store %arg12[%swap3A, %swap3A_260], %swap3A_263 {strides = array<i32>} : memref<256x128xf32, #tpu.memory_space<vmem>>, vector<1x16xf32>,
      %get3A_264 = arith.index_cast %scan3A_242 : i32 to index
      %get3A_265 = arith.constant 16 : index
      %get3A_266 = tpu.vector_load %arg12[%get3A_264, %get3A_265] {strides = array<i32>} : memref<256x128xf32, #tpu.memory_space<vmem>>, vector<1x16xf32>,
      %get3A_267 = vector.shape_cast %get3A_266 : vector<1x16xf32> to vector<16xf32>
      %mul3A_268 = arith.constant 11.3137083 : f32
      %mul3A_269 = vector.broadcast %mul3A_268 : f32 to vector<16xf32>
      %mul3A_270 = arith.mulf %get3A_267, %mul3A_269 : vector<16xf32>
      %add3A_271 = arith.addf %mul3A_270, %bitcast_convert_type3A_251 : vector<16xf32>
      %swap3A_272 = arith.index_cast %scan3A_242 : i32 to index
      %swap3A_273 = arith.constant 16 : index
      %swap3A_274 = tpu.vector_load %arg12[%swap3A_272, %swap3A_273] {strides = array<i32>} : memref<256x128xf32, #tpu.memory_space<vmem>>, vector<1x16xf32>,
      %swap3A_275 = vector.shape_cast %swap3A_274 : vector<1x16xf32> to vector<16xf32>
      %swap3A_276 = vector.shape_cast %add3A_271 : vector<16xf32> to vector<1x16xf32>
      tpu.vector_store %arg12[%swap3A_272, %swap3A_273], %swap3A_276 {strides = array<i32>} : memref<256x128xf32, #tpu.memory_space<vmem>>, vector<1x16xf32>,
      %get3A_277 = arith.index_cast %scan3A_242 : i32 to index
      %get3A_278 = arith.constant 16 : index
      %get3A_279 = tpu.vector_load %arg11[%get3A_277, %get3A_278] {strides = array<i32>} : memref<256x64xi32, #tpu.memory_space<vmem>>, vector<1x16xi32>,
      %get3A_280 = vector.shape_cast %get3A_279 : vector<1x16xi32> to vector<16xi32>
      %shift_left3A_281 = arith.constant 16 : i32
      %shift_left3A_282 = vector.broadcast %shift_left3A_281 : i32 to vector<16xi32>
      %shift_left3A_283 = arith.shli %get3A_280, %shift_left3A_282 : vector<16xi32>
      %bitcast_convert_type3A_284 = tpu.bitcast %shift_left3A_283 : vector<16xi32> -> vector<16xf32>
      %and3A_285 = vector.broadcast %scan3A : i32 to vector<16xi32>
      %and3A_286 = arith.andi %get3A_280, %and3A_285 : vector<16xi32>
      %bitcast_convert_type3A_287 = tpu.bitcast %and3A_286 : vector<16xi32> -> vector<16xf32>
      %get3A_288 = arith.index_cast %scan3A_242 : i32 to index
      %get3A_289 = arith.constant 32 : index
      %get3A_290 = tpu.vector_load %arg12[%get3A_288, %get3A_289] {strides = array<i32>} : memref<256x128xf32, #tpu.memory_space<vmem>>, vector<1x16xf32>,
      %get3A_291 = vector.shape_cast %get3A_290 : vector<1x16xf32> to vector<16xf32>
      %mul3A_292 = arith.constant 11.3137083 : f32
      %mul3A_293 = vector.broadcast %mul3A_292 : f32 to vector<16xf32>
      %mul3A_294 = arith.mulf %get3A_291, %mul3A_293 : vector<16xf32>
      %add3A_295 = arith.addf %mul3A_294, %bitcast_convert_type3A_284 : vector<16xf32>
      %swap3A_296 = arith.index_cast %scan3A_242 : i32 to index
      %swap3A_297 = arith.constant 32 : index
      %swap3A_298 = tpu.vector_load %arg12[%swap3A_296, %swap3A_297] {strides = array<i32>} : memref<256x128xf32, #tpu.memory_space<vmem>>, vector<1x16xf32>,
      %swap3A_299 = vector.shape_cast %swap3A_298 : vector<1x16xf32> to vector<16xf32>
      %swap3A_300 = vector.shape_cast %add3A_295 : vector<16xf32> to vector<1x16xf32>
      tpu.vector_store %arg12[%swap3A_296, %swap3A_297], %swap3A_300 {strides = array<i32>} : memref<256x128xf32, #tpu.memory_space<vmem>>, vector<1x16xf32>,
      %get3A_301 = arith.index_cast %scan3A_242 : i32 to index
      %get3A_302 = arith.constant 48 : index
      %get3A_303 = tpu.vector_load %arg12[%get3A_301, %get3A_302] {strides = array<i32>} : memref<256x128xf32, #tpu.memory_space<vmem>>, vector<1x16xf32>,
      %get3A_304 = vector.shape_cast %get3A_303 : vector<1x16xf32> to vector<16xf32>
      %mul3A_305 = arith.constant 11.3137083 : f32
      %mul3A_306 = vector.broadcast %mul3A_305 : f32 to vector<16xf32>
      %mul3A_307 = arith.mulf %get3A_304, %mul3A_306 : vector<16xf32>
      %add3A_308 = arith.addf %mul3A_307, %bitcast_convert_type3A_287 : vector<16xf32>
      %swap3A_309 = arith.index_cast %scan3A_242 : i32 to index
      %swap3A_310 = arith.constant 48 : index
      %swap3A_311 = tpu.vector_load %arg12[%swap3A_309, %swap3A_310] {strides = array<i32>} : memref<256x128xf32, #tpu.memory_space<vmem>>, vector<1x16xf32>,
      %swap3A_312 = vector.shape_cast %swap3A_311 : vector<1x16xf32> to vector<16xf32>
      %swap3A_313 = vector.shape_cast %add3A_308 : vector<16xf32> to vector<1x16xf32>
      tpu.vector_store %arg12[%swap3A_309, %swap3A_310], %swap3A_313 {strides = array<i32>} : memref<256x128xf32, #tpu.memory_space<vmem>>, vector<1x16xf32>,
      %get3A_314 = arith.index_cast %scan3A_242 : i32 to index
      %get3A_315 = arith.constant 32 : index
      %get3A_316 = tpu.vector_load %arg11[%get3A_314, %get3A_315] {strides = array<i32>} : memref<256x64xi32, #tpu.memory_space<vmem>>, vector<1x16xi32>,
      %get3A_317 = vector.shape_cast %get3A_316 : vector<1x16xi32> to vector<16xi32>
      %shift_left3A_318 = arith.constant 16 : i32
      %shift_left3A_319 = vector.broadcast %shift_left3A_318 : i32 to vector<16xi32>
      %shift_left3A_320 = arith.shli %get3A_317, %shift_left3A_319 : vector<16xi32>
      %bitcast_convert_type3A_321 = tpu.bitcast %shift_left3A_320 : vector<16xi32> -> vector<16xf32>
      %and3A_322 = vector.broadcast %scan3A : i32 to vector<16xi32>
      %and3A_323 = arith.andi %get3A_317, %and3A_322 : vector<16xi32>
      %bitcast_convert_type3A_324 = tpu.bitcast %and3A_323 : vector<16xi32> -> vector<16xf32>
      %get3A_325 = arith.index_cast %scan3A_242 : i32 to index
      %get3A_326 = arith.constant 64 : index
      %get3A_327 = tpu.vector_load %arg12[%get3A_325, %get3A_326] {strides = array<i32>} : memref<256x128xf32, #tpu.memory_space<vmem>>, vector<1x16xf32>,
      %get3A_328 = vector.shape_cast %get3A_327 : vector<1x16xf32> to vector<16xf32>
      %mul3A_329 = arith.constant 11.3137083 : f32
      %mul3A_330 = vector.broadcast %mul3A_329 : f32 to vector<16xf32>
      %mul3A_331 = arith.mulf %get3A_328, %mul3A_330 : vector<16xf32>
      %add3A_332 = arith.addf %mul3A_331, %bitcast_convert_type3A_321 : vector<16xf32>
      %swap3A_333 = arith.index_cast %scan3A_242 : i32 to index
      %swap3A_334 = arith.constant 64 : index
      %swap3A_335 = tpu.vector_load %arg12[%swap3A_333, %swap3A_334] {strides = array<i32>} : memref<256x128xf32, #tpu.memory_space<vmem>>, vector<1x16xf32>,
      %swap3A_336 = vector.shape_cast %swap3A_335 : vector<1x16xf32> to vector<16xf32>
      %swap3A_337 = vector.shape_cast %add3A_332 : vector<16xf32> to vector<1x16xf32>
      tpu.vector_store %arg12[%swap3A_333, %swap3A_334], %swap3A_337 {strides = array<i32>} : memref<256x128xf32, #tpu.memory_space<vmem>>, vector<1x16xf32>,
      %get3A_338 = arith.index_cast %scan3A_242 : i32 to index
      %get3A_339 = arith.constant 80 : index
      %get3A_340 = tpu.vector_load %arg12[%get3A_338, %get3A_339] {strides = array<i32>} : memref<256x128xf32, #tpu.memory_space<vmem>>, vector<1x16xf32>,
      %get3A_341 = vector.shape_cast %get3A_340 : vector<1x16xf32> to vector<16xf32>
      %mul3A_342 = arith.constant 11.3137083 : f32
      %mul3A_343 = vector.broadcast %mul3A_342 : f32 to vector<16xf32>
      %mul3A_344 = arith.mulf %get3A_341, %mul3A_343 : vector<16xf32>
      %add3A_345 = arith.addf %mul3A_344, %bitcast_convert_type3A_324 : vector<16xf32>
      %swap3A_346 = arith.index_cast %scan3A_242 : i32 to index
      %swap3A_347 = arith.constant 80 : index
      %swap3A_348 = tpu.vector_load %arg12[%swap3A_346, %swap3A_347] {strides = array<i32>} : memref<256x128xf32, #tpu.memory_space<vmem>>, vector<1x16xf32>,
      %swap3A_349 = vector.shape_cast %swap3A_348 : vector<1x16xf32> to vector<16xf32>
      %swap3A_350 = vector.shape_cast %add3A_345 : vector<16xf32> to vector<1x16xf32>
      tpu.vector_store %arg12[%swap3A_346, %swap3A_347], %swap3A_350 {strides = array<i32>} : memref<256x128xf32, #tpu.memory_space<vmem>>, vector<1x16xf32>,
      %get3A_351 = arith.index_cast %scan3A_242 : i32 to index
      %get3A_352 = arith.constant 48 : index
      %get3A_353 = tpu.vector_load %arg11[%get3A_351, %get3A_352] {strides = array<i32>} : memref<256x64xi32, #tpu.memory_space<vmem>>, vector<1x16xi32>,
      %get3A_354 = vector.shape_cast %get3A_353 : vector<1x16xi32> to vector<16xi32>
      %shift_left3A_355 = arith.constant 16 : i32
      %shift_left3A_356 = vector.broadcast %shift_left3A_355 : i32 to vector<16xi32>
      %shift_left3A_357 = arith.shli %get3A_354, %shift_left3A_356 : vector<16xi32>
      %bitcast_convert_type3A_358 = tpu.bitcast %shift_left3A_357 : vector<16xi32> -> vector<16xf32>
      %and3A_359 = vector.broadcast %scan3A : i32 to vector<16xi32>
      %and3A_360 = arith.andi %get3A_354, %and3A_359 : vector<16xi32>
      %bitcast_convert_type3A_361 = tpu.bitcast %and3A_360 : vector<16xi32> -> vector<16xf32>
      %get3A_362 = arith.index_cast %scan3A_242 : i32 to index
      %get3A_363 = arith.constant 96 : index
      %get3A_364 = tpu.vector_load %arg12[%get3A_362, %get3A_363] {strides = array<i32>} : memref<256x128xf32, #tpu.memory_space<vmem>>, vector<1x16xf32>,
      %get3A_365 = vector.shape_cast %get3A_364 : vector<1x16xf32> to vector<16xf32>
      %mul3A_366 = arith.constant 11.3137083 : f32
      %mul3A_367 = vector.broadcast %mul3A_366 : f32 to vector<16xf32>
      %mul3A_368 = arith.mulf %get3A_365, %mul3A_367 : vector<16xf32>
      %add3A_369 = arith.addf %mul3A_368, %bitcast_convert_type3A_358 : vector<16xf32>
      %swap3A_370 = arith.index_cast %scan3A_242 : i32 to index
      %swap3A_371 = arith.constant 96 : index
      %swap3A_372 = tpu.vector_load %arg12[%swap3A_370, %swap3A_371] {strides = array<i32>} : memref<256x128xf32, #tpu.memory_space<vmem>>, vector<1x16xf32>,
      %swap3A_373 = vector.shape_cast %swap3A_372 : vector<1x16xf32> to vector<16xf32>
      %swap3A_374 = vector.shape_cast %add3A_369 : vector<16xf32> to vector<1x16xf32>
      tpu.vector_store %arg12[%swap3A_370, %swap3A_371], %swap3A_374 {strides = array<i32>} : memref<256x128xf32, #tpu.memory_space<vmem>>, vector<1x16xf32>,
      %get3A_375 = arith.index_cast %scan3A_242 : i32 to index
      %get3A_376 = arith.constant 112 : index
      %get3A_377 = tpu.vector_load %arg12[%get3A_375, %get3A_376] {strides = array<i32>} : memref<256x128xf32, #tpu.memory_space<vmem>>, vector<1x16xf32>,
      %get3A_378 = vector.shape_cast %get3A_377 : vector<1x16xf32> to vector<16xf32>
      %mul3A_379 = arith.constant 11.3137083 : f32
      %mul3A_380 = vector.broadcast %mul3A_379 : f32 to vector<16xf32>
      %mul3A_381 = arith.mulf %get3A_378, %mul3A_380 : vector<16xf32>
      %add3A_382 = arith.addf %mul3A_381, %bitcast_convert_type3A_361 : vector<16xf32>
      %swap3A_383 = arith.index_cast %scan3A_242 : i32 to index
      %swap3A_384 = arith.constant 112 : index
      %swap3A_385 = tpu.vector_load %arg12[%swap3A_383, %swap3A_384] {strides = array<i32>} : memref<256x128xf32, #tpu.memory_space<vmem>>, vector<1x16xf32>,
      %swap3A_386 = vector.shape_cast %swap3A_385 : vector<1x16xf32> to vector<16xf32>
      %swap3A_387 = vector.shape_cast %add3A_382 : vector<16xf32> to vector<1x16xf32>
      tpu.vector_store %arg12[%swap3A_383, %swap3A_384], %swap3A_387 {strides = array<i32>} : memref<256x128xf32, #tpu.memory_space<vmem>>, vector<1x16xf32>,
      %scan3A_388 = arith.constant 0 : i32
      scf.yield %scan3A_388 : i32
    }
    %scan3A_89 = arith.constant 128 : i32
    %add3A_90 = arith.constant 0 : i32
    %add3A_91 = arith.addi %mul3A_20, %add3A_90 : i32
    %dma_start3A_92 = arith.constant 0 : i32
    %dma_start3A_93 = arith.constant 0 : i32
    %dma_start3A_94 = tpu.memref_slice %arg12[%dma_start3A_92, %dma_start3A_93] : memref<256x128xf32, #tpu.memory_space<vmem>> -> memref<128x128xf32, #tpu.memory_space<vmem>>
    %dma_start3A_95 = arith.constant 0 : i32
    %dma_start3A_96 = tpu.memref_slice %arg7[%select_n3A, %add3A_91, %dma_start3A_95] : memref<4x2048x128xf32, #tpu.memory_space<hbm>> -> memref<1x128x128xf32, #tpu.memory_space<hbm>>
    %dma_start3A_97 = tpu.memref_squeeze %dma_start3A_96 : memref<1x128x128xf32, #tpu.memory_space<hbm>> -> memref<128x128xf32, #tpu.memory_space<hbm>>
    %dma_start3A_98 = arith.constant 0 : i32
    %dma_start3A_99 = tpu.memref_slice %arg7[%select_n3A, %add3A_91, %dma_start3A_98] : memref<4x2048x128xf32, #tpu.memory_space<hbm>> -> memref<1x128x128xf32, #tpu.memory_space<hbm>>
    %dma_start3A_100 = tpu.memref_squeeze %dma_start3A_99 : memref<1x128x128xf32, #tpu.memory_space<hbm>> -> memref<128x128xf32, #tpu.memory_space<hbm>>
    %dma_start3A_101 = arith.constant 0 : i32
    %dma_start3A_102 = arith.constant 0 : i32
    %dma_start3A_103 = tpu.memref_slice %arg12[%dma_start3A_101, %dma_start3A_102] : memref<256x128xf32, #tpu.memory_space<vmem>> -> memref<128x128xf32, #tpu.memory_space<vmem>>
    tpu.enqueue_dma source(%dma_start3A_103 : memref<128x128xf32, #tpu.memory_space<vmem>>) target(%dma_start3A_100 : memref<128x128xf32, #tpu.memory_space<hbm>>) target_semaphore(%arg19 : memref<!tpu.dma_semaphore, #tpu.memory_space<semaphore_mem>>)
    %dma_wait3A_104 = arith.constant 128 : i32
    %dma_wait3A_105 = arith.constant 0 : i32
    %dma_wait3A_106 = tpu.memref_slice %arg12[%dma_wait3A_104, %dma_wait3A_105] : memref<256x128xf32, #tpu.memory_space<vmem>> -> memref<128x128xf32, #tpu.memory_space<vmem>>
    %dma_wait3A_107 = arith.constant 128 : i32
    %dma_wait3A_108 = tpu.memref_slice %arg9[%dma_wait3A_107] : memref<256xi32, #tpu.memory_space<vmem>> -> memref<128xi32, #tpu.memory_space<vmem>>
    %dma_wait3A_109 = arith.constant 0 : i32
    %dma_wait3A_110 = arith.constant 0 : i32
    %dma_wait3A_111 = tpu.memref_slice %arg4[%dma_wait3A_109, %dma_wait3A_110] : memref<1000000x128xf32, #tpu.memory_space<hbm>> -> memref<1000000x128xf32, #tpu.memory_space<hbm>>
    tpu.wait_indirect_dma semaphore(%arg14 : memref<!tpu.dma_semaphore, #tpu.memory_space<semaphore_mem>>) src(%dma_wait3A_111 : memref<1000000x128xf32, #tpu.memory_space<hbm>>) dst(%dma_wait3A_106 : memref<128x128xf32, #tpu.memory_space<vmem>>)
    %scan3A_112 = arith.constant -65536 : i32
    %scan3A_113 = arith.constant 0 : i32
    %scan3A_114 = arith.constant 128 : i32
    %scan3A_115 = arith.constant 128 : i32
    %scan3A_116 = arith.addi %scan3A_114, %scan3A_115 : i32
    %scan3A_117 = arith.constant 1 : i32
    %scan3A_118 = scf.for %scan3A_242 = %scan3A_114 to %scan3A_116 step %scan3A_117 iter_args(%scan3A_243 = %scan3A_113) -> (i32)  : i32 {
      %get3A = arith.index_cast %scan3A_242 : i32 to index
      %get3A_244 = arith.constant 0 : index
      %get3A_245 = tpu.vector_load %arg11[%get3A, %get3A_244] {strides = array<i32>} : memref<256x64xi32, #tpu.memory_space<vmem>>, vector<1x16xi32>,
      %get3A_246 = vector.shape_cast %get3A_245 : vector<1x16xi32> to vector<16xi32>
      %shift_left3A = arith.constant 16 : i32
      %shift_left3A_247 = vector.broadcast %shift_left3A : i32 to vector<16xi32>
      %shift_left3A_248 = arith.shli %get3A_246, %shift_left3A_247 : vector<16xi32>
      %bitcast_convert_type3A = tpu.bitcast %shift_left3A_248 : vector<16xi32> -> vector<16xf32>
      %and3A_249 = vector.broadcast %scan3A_112 : i32 to vector<16xi32>
      %and3A_250 = arith.andi %get3A_246, %and3A_249 : vector<16xi32>
      %bitcast_convert_type3A_251 = tpu.bitcast %and3A_250 : vector<16xi32> -> vector<16xf32>
      %get3A_252 = arith.index_cast %scan3A_242 : i32 to index
      %get3A_253 = arith.constant 0 : index
      %get3A_254 = tpu.vector_load %arg12[%get3A_252, %get3A_253] {strides = array<i32>} : memref<256x128xf32, #tpu.memory_space<vmem>>, vector<1x16xf32>,
      %get3A_255 = vector.shape_cast %get3A_254 : vector<1x16xf32> to vector<16xf32>
      %mul3A_256 = arith.constant 11.3137083 : f32
      %mul3A_257 = vector.broadcast %mul3A_256 : f32 to vector<16xf32>
      %mul3A_258 = arith.mulf %get3A_255, %mul3A_257 : vector<16xf32>
      %add3A_259 = arith.addf %mul3A_258, %bitcast_convert_type3A : vector<16xf32>
      %swap3A = arith.index_cast %scan3A_242 : i32 to index
      %swap3A_260 = arith.constant 0 : index
      %swap3A_261 = tpu.vector_load %arg12[%swap3A, %swap3A_260] {strides = array<i32>} : memref<256x128xf32, #tpu.memory_space<vmem>>, vector<1x16xf32>,
      %swap3A_262 = vector.shape_cast %swap3A_261 : vector<1x16xf32> to vector<16xf32>
      %swap3A_263 = vector.shape_cast %add3A_259 : vector<16xf32> to vector<1x16xf32>
      tpu.vector_store %arg12[%swap3A, %swap3A_260], %swap3A_263 {strides = array<i32>} : memref<256x128xf32, #tpu.memory_space<vmem>>, vector<1x16xf32>,
      %get3A_264 = arith.index_cast %scan3A_242 : i32 to index
      %get3A_265 = arith.constant 16 : index
      %get3A_266 = tpu.vector_load %arg12[%get3A_264, %get3A_265] {strides = array<i32>} : memref<256x128xf32, #tpu.memory_space<vmem>>, vector<1x16xf32>,
      %get3A_267 = vector.shape_cast %get3A_266 : vector<1x16xf32> to vector<16xf32>
      %mul3A_268 = arith.constant 11.3137083 : f32
      %mul3A_269 = vector.broadcast %mul3A_268 : f32 to vector<16xf32>
      %mul3A_270 = arith.mulf %get3A_267, %mul3A_269 : vector<16xf32>
      %add3A_271 = arith.addf %mul3A_270, %bitcast_convert_type3A_251 : vector<16xf32>
      %swap3A_272 = arith.index_cast %scan3A_242 : i32 to index
      %swap3A_273 = arith.constant 16 : index
      %swap3A_274 = tpu.vector_load %arg12[%swap3A_272, %swap3A_273] {strides = array<i32>} : memref<256x128xf32, #tpu.memory_space<vmem>>, vector<1x16xf32>,
      %swap3A_275 = vector.shape_cast %swap3A_274 : vector<1x16xf32> to vector<16xf32>
      %swap3A_276 = vector.shape_cast %add3A_271 : vector<16xf32> to vector<1x16xf32>
      tpu.vector_store %arg12[%swap3A_272, %swap3A_273], %swap3A_276 {strides = array<i32>} : memref<256x128xf32, #tpu.memory_space<vmem>>, vector<1x16xf32>,
      %get3A_277 = arith.index_cast %scan3A_242 : i32 to index
      %get3A_278 = arith.constant 16 : index
      %get3A_279 = tpu.vector_load %arg11[%get3A_277, %get3A_278] {strides = array<i32>} : memref<256x64xi32, #tpu.memory_space<vmem>>, vector<1x16xi32>,
      %get3A_280 = vector.shape_cast %get3A_279 : vector<1x16xi32> to vector<16xi32>
      %shift_left3A_281 = arith.constant 16 : i32
      %shift_left3A_282 = vector.broadcast %shift_left3A_281 : i32 to vector<16xi32>
      %shift_left3A_283 = arith.shli %get3A_280, %shift_left3A_282 : vector<16xi32>
      %bitcast_convert_type3A_284 = tpu.bitcast %shift_left3A_283 : vector<16xi32> -> vector<16xf32>
      %and3A_285 = vector.broadcast %scan3A_112 : i32 to vector<16xi32>
      %and3A_286 = arith.andi %get3A_280, %and3A_285 : vector<16xi32>
      %bitcast_convert_type3A_287 = tpu.bitcast %and3A_286 : vector<16xi32> -> vector<16xf32>
      %get3A_288 = arith.index_cast %scan3A_242 : i32 to index
      %get3A_289 = arith.constant 32 : index
      %get3A_290 = tpu.vector_load %arg12[%get3A_288, %get3A_289] {strides = array<i32>} : memref<256x128xf32, #tpu.memory_space<vmem>>, vector<1x16xf32>,
      %get3A_291 = vector.shape_cast %get3A_290 : vector<1x16xf32> to vector<16xf32>
      %mul3A_292 = arith.constant 11.3137083 : f32
      %mul3A_293 = vector.broadcast %mul3A_292 : f32 to vector<16xf32>
      %mul3A_294 = arith.mulf %get3A_291, %mul3A_293 : vector<16xf32>
      %add3A_295 = arith.addf %mul3A_294, %bitcast_convert_type3A_284 : vector<16xf32>
      %swap3A_296 = arith.index_cast %scan3A_242 : i32 to index
      %swap3A_297 = arith.constant 32 : index
      %swap3A_298 = tpu.vector_load %arg12[%swap3A_296, %swap3A_297] {strides = array<i32>} : memref<256x128xf32, #tpu.memory_space<vmem>>, vector<1x16xf32>,
      %swap3A_299 = vector.shape_cast %swap3A_298 : vector<1x16xf32> to vector<16xf32>
      %swap3A_300 = vector.shape_cast %add3A_295 : vector<16xf32> to vector<1x16xf32>
      tpu.vector_store %arg12[%swap3A_296, %swap3A_297], %swap3A_300 {strides = array<i32>} : memref<256x128xf32, #tpu.memory_space<vmem>>, vector<1x16xf32>,
      %get3A_301 = arith.index_cast %scan3A_242 : i32 to index
      %get3A_302 = arith.constant 48 : index
      %get3A_303 = tpu.vector_load %arg12[%get3A_301, %get3A_302] {strides = array<i32>} : memref<256x128xf32, #tpu.memory_space<vmem>>, vector<1x16xf32>,
      %get3A_304 = vector.shape_cast %get3A_303 : vector<1x16xf32> to vector<16xf32>
      %mul3A_305 = arith.constant 11.3137083 : f32
      %mul3A_306 = vector.broadcast %mul3A_305 : f32 to vector<16xf32>
      %mul3A_307 = arith.mulf %get3A_304, %mul3A_306 : vector<16xf32>
      %add3A_308 = arith.addf %mul3A_307, %bitcast_convert_type3A_287 : vector<16xf32>
      %swap3A_309 = arith.index_cast %scan3A_242 : i32 to index
      %swap3A_310 = arith.constant 48 : index
      %swap3A_311 = tpu.vector_load %arg12[%swap3A_309, %swap3A_310] {strides = array<i32>} : memref<256x128xf32, #tpu.memory_space<vmem>>, vector<1x16xf32>,
      %swap3A_312 = vector.shape_cast %swap3A_311 : vector<1x16xf32> to vector<16xf32>
      %swap3A_313 = vector.shape_cast %add3A_308 : vector<16xf32> to vector<1x16xf32>
      tpu.vector_store %arg12[%swap3A_309, %swap3A_310], %swap3A_313 {strides = array<i32>} : memref<256x128xf32, #tpu.memory_space<vmem>>, vector<1x16xf32>,
      %get3A_314 = arith.index_cast %scan3A_242 : i32 to index
      %get3A_315 = arith.constant 32 : index
      %get3A_316 = tpu.vector_load %arg11[%get3A_314, %get3A_315] {strides = array<i32>} : memref<256x64xi32, #tpu.memory_space<vmem>>, vector<1x16xi32>,
      %get3A_317 = vector.shape_cast %get3A_316 : vector<1x16xi32> to vector<16xi32>
      %shift_left3A_318 = arith.constant 16 : i32
      %shift_left3A_319 = vector.broadcast %shift_left3A_318 : i32 to vector<16xi32>
      %shift_left3A_320 = arith.shli %get3A_317, %shift_left3A_319 : vector<16xi32>
      %bitcast_convert_type3A_321 = tpu.bitcast %shift_left3A_320 : vector<16xi32> -> vector<16xf32>
      %and3A_322 = vector.broadcast %scan3A_112 : i32 to vector<16xi32>
      %and3A_323 = arith.andi %get3A_317, %and3A_322 : vector<16xi32>
      %bitcast_convert_type3A_324 = tpu.bitcast %and3A_323 : vector<16xi32> -> vector<16xf32>
      %get3A_325 = arith.index_cast %scan3A_242 : i32 to index
      %get3A_326 = arith.constant 64 : index
      %get3A_327 = tpu.vector_load %arg12[%get3A_325, %get3A_326] {strides = array<i32>} : memref<256x128xf32, #tpu.memory_space<vmem>>, vector<1x16xf32>,
      %get3A_328 = vector.shape_cast %get3A_327 : vector<1x16xf32> to vector<16xf32>
      %mul3A_329 = arith.constant 11.3137083 : f32
      %mul3A_330 = vector.broadcast %mul3A_329 : f32 to vector<16xf32>
      %mul3A_331 = arith.mulf %get3A_328, %mul3A_330 : vector<16xf32>
      %add3A_332 = arith.addf %mul3A_331, %bitcast_convert_type3A_321 : vector<16xf32>
      %swap3A_333 = arith.index_cast %scan3A_242 : i32 to index
      %swap3A_334 = arith.constant 64 : index
      %swap3A_335 = tpu.vector_load %arg12[%swap3A_333, %swap3A_334] {strides = array<i32>} : memref<256x128xf32, #tpu.memory_space<vmem>>, vector<1x16xf32>,
      %swap3A_336 = vector.shape_cast %swap3A_335 : vector<1x16xf32> to vector<16xf32>
      %swap3A_337 = vector.shape_cast %add3A_332 : vector<16xf32> to vector<1x16xf32>
      tpu.vector_store %arg12[%swap3A_333, %swap3A_334], %swap3A_337 {strides = array<i32>} : memref<256x128xf32, #tpu.memory_space<vmem>>, vector<1x16xf32>,
      %get3A_338 = arith.index_cast %scan3A_242 : i32 to index
      %get3A_339 = arith.constant 80 : index
      %get3A_340 = tpu.vector_load %arg12[%get3A_338, %get3A_339] {strides = array<i32>} : memref<256x128xf32, #tpu.memory_space<vmem>>, vector<1x16xf32>,
      %get3A_341 = vector.shape_cast %get3A_340 : vector<1x16xf32> to vector<16xf32>
      %mul3A_342 = arith.constant 11.3137083 : f32
      %mul3A_343 = vector.broadcast %mul3A_342 : f32 to vector<16xf32>
      %mul3A_344 = arith.mulf %get3A_341, %mul3A_343 : vector<16xf32>
      %add3A_345 = arith.addf %mul3A_344, %bitcast_convert_type3A_324 : vector<16xf32>
      %swap3A_346 = arith.index_cast %scan3A_242 : i32 to index
      %swap3A_347 = arith.constant 80 : index
      %swap3A_348 = tpu.vector_load %arg12[%swap3A_346, %swap3A_347] {strides = array<i32>} : memref<256x128xf32, #tpu.memory_space<vmem>>, vector<1x16xf32>,
      %swap3A_349 = vector.shape_cast %swap3A_348 : vector<1x16xf32> to vector<16xf32>
      %swap3A_350 = vector.shape_cast %add3A_345 : vector<16xf32> to vector<1x16xf32>
      tpu.vector_store %arg12[%swap3A_346, %swap3A_347], %swap3A_350 {strides = array<i32>} : memref<256x128xf32, #tpu.memory_space<vmem>>, vector<1x16xf32>,
      %get3A_351 = arith.index_cast %scan3A_242 : i32 to index
      %get3A_352 = arith.constant 48 : index
      %get3A_353 = tpu.vector_load %arg11[%get3A_351, %get3A_352] {strides = array<i32>} : memref<256x64xi32, #tpu.memory_space<vmem>>, vector<1x16xi32>,
      %get3A_354 = vector.shape_cast %get3A_353 : vector<1x16xi32> to vector<16xi32>
      %shift_left3A_355 = arith.constant 16 : i32
      %shift_left3A_356 = vector.broadcast %shift_left3A_355 : i32 to vector<16xi32>
      %shift_left3A_357 = arith.shli %get3A_354, %shift_left3A_356 : vector<16xi32>
      %bitcast_convert_type3A_358 = tpu.bitcast %shift_left3A_357 : vector<16xi32> -> vector<16xf32>
      %and3A_359 = vector.broadcast %scan3A_112 : i32 to vector<16xi32>
      %and3A_360 = arith.andi %get3A_354, %and3A_359 : vector<16xi32>
      %bitcast_convert_type3A_361 = tpu.bitcast %and3A_360 : vector<16xi32> -> vector<16xf32>
      %get3A_362 = arith.index_cast %scan3A_242 : i32 to index
      %get3A_363 = arith.constant 96 : index
      %get3A_364 = tpu.vector_load %arg12[%get3A_362, %get3A_363] {strides = array<i32>} : memref<256x128xf32, #tpu.memory_space<vmem>>, vector<1x16xf32>,
      %get3A_365 = vector.shape_cast %get3A_364 : vector<1x16xf32> to vector<16xf32>
      %mul3A_366 = arith.constant 11.3137083 : f32
      %mul3A_367 = vector.broadcast %mul3A_366 : f32 to vector<16xf32>
      %mul3A_368 = arith.mulf %get3A_365, %mul3A_367 : vector<16xf32>
      %add3A_369 = arith.addf %mul3A_368, %bitcast_convert_type3A_358 : vector<16xf32>
      %swap3A_370 = arith.index_cast %scan3A_242 : i32 to index
      %swap3A_371 = arith.constant 96 : index
      %swap3A_372 = tpu.vector_load %arg12[%swap3A_370, %swap3A_371] {strides = array<i32>} : memref<256x128xf32, #tpu.memory_space<vmem>>, vector<1x16xf32>,
      %swap3A_373 = vector.shape_cast %swap3A_372 : vector<1x16xf32> to vector<16xf32>
      %swap3A_374 = vector.shape_cast %add3A_369 : vector<16xf32> to vector<1x16xf32>
      tpu.vector_store %arg12[%swap3A_370, %swap3A_371], %swap3A_374 {strides = array<i32>} : memref<256x128xf32, #tpu.memory_space<vmem>>, vector<1x16xf32>,
      %get3A_375 = arith.index_cast %scan3A_242 : i32 to index
      %get3A_376 = arith.constant 112 : index
      %get3A_377 = tpu.vector_load %arg12[%get3A_375, %get3A_376] {strides = array<i32>} : memref<256x128xf32, #tpu.memory_space<vmem>>, vector<1x16xf32>,
      %get3A_378 = vector.shape_cast %get3A_377 : vector<1x16xf32> to vector<16xf32>
      %mul3A_379 = arith.constant 11.3137083 : f32
      %mul3A_380 = vector.broadcast %mul3A_379 : f32 to vector<16xf32>
      %mul3A_381 = arith.mulf %get3A_378, %mul3A_380 : vector<16xf32>
      %add3A_382 = arith.addf %mul3A_381, %bitcast_convert_type3A_361 : vector<16xf32>
      %swap3A_383 = arith.index_cast %scan3A_242 : i32 to index
      %swap3A_384 = arith.constant 112 : index
      %swap3A_385 = tpu.vector_load %arg12[%swap3A_383, %swap3A_384] {strides = array<i32>} : memref<256x128xf32, #tpu.memory_space<vmem>>, vector<1x16xf32>,
      %swap3A_386 = vector.shape_cast %swap3A_385 : vector<1x16xf32> to vector<16xf32>
      %swap3A_387 = vector.shape_cast %add3A_382 : vector<16xf32> to vector<1x16xf32>
      tpu.vector_store %arg12[%swap3A_383, %swap3A_384], %swap3A_387 {strides = array<i32>} : memref<256x128xf32, #tpu.memory_space<vmem>>, vector<1x16xf32>,
      %scan3A_388 = arith.constant 0 : i32
      scf.yield %scan3A_388 : i32
    }
    %scan3A_119 = arith.constant 128 : i32
    %add3A_120 = arith.constant 128 : i32
    %add3A_121 = arith.addi %mul3A_20, %add3A_120 : i32
    %dma_start3A_122 = arith.constant 128 : i32
    %dma_start3A_123 = arith.constant 0 : i32
    %dma_start3A_124 = tpu.memref_slice %arg12[%dma_start3A_122, %dma_start3A_123] : memref<256x128xf32, #tpu.memory_space<vmem>> -> memref<128x128xf32, #tpu.memory_space<vmem>>
    %dma_start3A_125 = arith.constant 0 : i32
    %dma_start3A_126 = tpu.memref_slice %arg7[%select_n3A, %add3A_121, %dma_start3A_125] : memref<4x2048x128xf32, #tpu.memory_space<hbm>> -> memref<1x128x128xf32, #tpu.memory_space<hbm>>
    %dma_start3A_127 = tpu.memref_squeeze %dma_start3A_126 : memref<1x128x128xf32, #tpu.memory_space<hbm>> -> memref<128x128xf32, #tpu.memory_space<hbm>>
    %dma_start3A_128 = arith.constant 0 : i32
    %dma_start3A_129 = tpu.memref_slice %arg7[%select_n3A, %add3A_121, %dma_start3A_128] : memref<4x2048x128xf32, #tpu.memory_space<hbm>> -> memref<1x128x128xf32, #tpu.memory_space<hbm>>
    %dma_start3A_130 = tpu.memref_squeeze %dma_start3A_129 : memref<1x128x128xf32, #tpu.memory_space<hbm>> -> memref<128x128xf32, #tpu.memory_space<hbm>>
    %dma_start3A_131 = arith.constant 128 : i32
    %dma_start3A_132 = arith.constant 0 : i32
    %dma_start3A_133 = tpu.memref_slice %arg12[%dma_start3A_131, %dma_start3A_132] : memref<256x128xf32, #tpu.memory_space<vmem>> -> memref<128x128xf32, #tpu.memory_space<vmem>>
    tpu.enqueue_dma source(%dma_start3A_133 : memref<128x128xf32, #tpu.memory_space<vmem>>) target(%dma_start3A_130 : memref<128x128xf32, #tpu.memory_space<hbm>>) target_semaphore(%arg19 : memref<!tpu.dma_semaphore, #tpu.memory_space<semaphore_mem>>)
    %dma_wait3A_134 = arith.constant 0 : i32
    %dma_wait3A_135 = arith.constant 0 : i32
    %dma_wait3A_136 = tpu.memref_slice %arg13[%dma_wait3A_134, %dma_wait3A_135] : memref<256x128xf32, #tpu.memory_space<vmem>> -> memref<128x128xf32, #tpu.memory_space<vmem>>
    %dma_wait3A_137 = arith.constant 0 : i32
    %dma_wait3A_138 = tpu.memref_slice %arg10[%dma_wait3A_137] : memref<256xi32, #tpu.memory_space<vmem>> -> memref<128xi32, #tpu.memory_space<vmem>>
    %dma_wait3A_139 = arith.constant 0 : i32
    %dma_wait3A_140 = arith.constant 0 : i32
    %dma_wait3A_141 = tpu.memref_slice %arg5[%dma_wait3A_139, %dma_wait3A_140] : memref<1000000x128xf32, #tpu.memory_space<hbm>> -> memref<1000000x128xf32, #tpu.memory_space<hbm>>
    tpu.wait_indirect_dma semaphore(%arg15 : memref<!tpu.dma_semaphore, #tpu.memory_space<semaphore_mem>>) src(%dma_wait3A_141 : memref<1000000x128xf32, #tpu.memory_space<hbm>>) dst(%dma_wait3A_136 : memref<128x128xf32, #tpu.memory_space<vmem>>)
    %scan3A_142 = arith.constant -65536 : i32
    %scan3A_143 = arith.constant 0 : i32
    %scan3A_144 = arith.constant 0 : i32
    %scan3A_145 = arith.constant 128 : i32
    %scan3A_146 = arith.addi %scan3A_144, %scan3A_145 : i32
    %scan3A_147 = arith.constant 1 : i32
    %scan3A_148 = scf.for %scan3A_242 = %scan3A_144 to %scan3A_146 step %scan3A_147 iter_args(%scan3A_243 = %scan3A_143) -> (i32)  : i32 {
      %get3A = arith.index_cast %scan3A_242 : i32 to index
      %get3A_244 = arith.constant 0 : index
      %get3A_245 = tpu.vector_load %arg11[%get3A, %get3A_244] {strides = array<i32>} : memref<256x64xi32, #tpu.memory_space<vmem>>, vector<1x16xi32>,
      %get3A_246 = vector.shape_cast %get3A_245 : vector<1x16xi32> to vector<16xi32>
      %shift_left3A = arith.constant 16 : i32
      %shift_left3A_247 = vector.broadcast %shift_left3A : i32 to vector<16xi32>
      %shift_left3A_248 = arith.shli %get3A_246, %shift_left3A_247 : vector<16xi32>
      %bitcast_convert_type3A = tpu.bitcast %shift_left3A_248 : vector<16xi32> -> vector<16xf32>
      %and3A_249 = vector.broadcast %scan3A_142 : i32 to vector<16xi32>
      %and3A_250 = arith.andi %get3A_246, %and3A_249 : vector<16xi32>
      %bitcast_convert_type3A_251 = tpu.bitcast %and3A_250 : vector<16xi32> -> vector<16xf32>
      %get3A_252 = arith.index_cast %scan3A_242 : i32 to index
      %get3A_253 = arith.constant 0 : index
      %get3A_254 = tpu.vector_load %arg13[%get3A_252, %get3A_253] {strides = array<i32>} : memref<256x128xf32, #tpu.memory_space<vmem>>, vector<1x16xf32>,
      %get3A_255 = vector.shape_cast %get3A_254 : vector<1x16xf32> to vector<16xf32>
      %mul3A_256 = arith.constant 11.3137083 : f32
      %mul3A_257 = vector.broadcast %mul3A_256 : f32 to vector<16xf32>
      %mul3A_258 = arith.mulf %get3A_255, %mul3A_257 : vector<16xf32>
      %add3A_259 = arith.addf %mul3A_258, %bitcast_convert_type3A : vector<16xf32>
      %swap3A = arith.index_cast %scan3A_242 : i32 to index
      %swap3A_260 = arith.constant 0 : index
      %swap3A_261 = tpu.vector_load %arg13[%swap3A, %swap3A_260] {strides = array<i32>} : memref<256x128xf32, #tpu.memory_space<vmem>>, vector<1x16xf32>,
      %swap3A_262 = vector.shape_cast %swap3A_261 : vector<1x16xf32> to vector<16xf32>
      %swap3A_263 = vector.shape_cast %add3A_259 : vector<16xf32> to vector<1x16xf32>
      tpu.vector_store %arg13[%swap3A, %swap3A_260], %swap3A_263 {strides = array<i32>} : memref<256x128xf32, #tpu.memory_space<vmem>>, vector<1x16xf32>,
      %get3A_264 = arith.index_cast %scan3A_242 : i32 to index
      %get3A_265 = arith.constant 16 : index
      %get3A_266 = tpu.vector_load %arg13[%get3A_264, %get3A_265] {strides = array<i32>} : memref<256x128xf32, #tpu.memory_space<vmem>>, vector<1x16xf32>,
      %get3A_267 = vector.shape_cast %get3A_266 : vector<1x16xf32> to vector<16xf32>
      %mul3A_268 = arith.constant 11.3137083 : f32
      %mul3A_269 = vector.broadcast %mul3A_268 : f32 to vector<16xf32>
      %mul3A_270 = arith.mulf %get3A_267, %mul3A_269 : vector<16xf32>
      %add3A_271 = arith.addf %mul3A_270, %bitcast_convert_type3A_251 : vector<16xf32>
      %swap3A_272 = arith.index_cast %scan3A_242 : i32 to index
      %swap3A_273 = arith.constant 16 : index
      %swap3A_274 = tpu.vector_load %arg13[%swap3A_272, %swap3A_273] {strides = array<i32>} : memref<256x128xf32, #tpu.memory_space<vmem>>, vector<1x16xf32>,
      %swap3A_275 = vector.shape_cast %swap3A_274 : vector<1x16xf32> to vector<16xf32>
      %swap3A_276 = vector.shape_cast %add3A_271 : vector<16xf32> to vector<1x16xf32>
      tpu.vector_store %arg13[%swap3A_272, %swap3A_273], %swap3A_276 {strides = array<i32>} : memref<256x128xf32, #tpu.memory_space<vmem>>, vector<1x16xf32>,
      %get3A_277 = arith.index_cast %scan3A_242 : i32 to index
      %get3A_278 = arith.constant 16 : index
      %get3A_279 = tpu.vector_load %arg11[%get3A_277, %get3A_278] {strides = array<i32>} : memref<256x64xi32, #tpu.memory_space<vmem>>, vector<1x16xi32>,
      %get3A_280 = vector.shape_cast %get3A_279 : vector<1x16xi32> to vector<16xi32>
      %shift_left3A_281 = arith.constant 16 : i32
      %shift_left3A_282 = vector.broadcast %shift_left3A_281 : i32 to vector<16xi32>
      %shift_left3A_283 = arith.shli %get3A_280, %shift_left3A_282 : vector<16xi32>
      %bitcast_convert_type3A_284 = tpu.bitcast %shift_left3A_283 : vector<16xi32> -> vector<16xf32>
      %and3A_285 = vector.broadcast %scan3A_142 : i32 to vector<16xi32>
      %and3A_286 = arith.andi %get3A_280, %and3A_285 : vector<16xi32>
      %bitcast_convert_type3A_287 = tpu.bitcast %and3A_286 : vector<16xi32> -> vector<16xf32>
      %get3A_288 = arith.index_cast %scan3A_242 : i32 to index
      %get3A_289 = arith.constant 32 : index
      %get3A_290 = tpu.vector_load %arg13[%get3A_288, %get3A_289] {strides = array<i32>} : memref<256x128xf32, #tpu.memory_space<vmem>>, vector<1x16xf32>,
      %get3A_291 = vector.shape_cast %get3A_290 : vector<1x16xf32> to vector<16xf32>
      %mul3A_292 = arith.constant 11.3137083 : f32
      %mul3A_293 = vector.broadcast %mul3A_292 : f32 to vector<16xf32>
      %mul3A_294 = arith.mulf %get3A_291, %mul3A_293 : vector<16xf32>
      %add3A_295 = arith.addf %mul3A_294, %bitcast_convert_type3A_284 : vector<16xf32>
      %swap3A_296 = arith.index_cast %scan3A_242 : i32 to index
      %swap3A_297 = arith.constant 32 : index
      %swap3A_298 = tpu.vector_load %arg13[%swap3A_296, %swap3A_297] {strides = array<i32>} : memref<256x128xf32, #tpu.memory_space<vmem>>, vector<1x16xf32>,
      %swap3A_299 = vector.shape_cast %swap3A_298 : vector<1x16xf32> to vector<16xf32>
      %swap3A_300 = vector.shape_cast %add3A_295 : vector<16xf32> to vector<1x16xf32>
      tpu.vector_store %arg13[%swap3A_296, %swap3A_297], %swap3A_300 {strides = array<i32>} : memref<256x128xf32, #tpu.memory_space<vmem>>, vector<1x16xf32>,
      %get3A_301 = arith.index_cast %scan3A_242 : i32 to index
      %get3A_302 = arith.constant 48 : index
      %get3A_303 = tpu.vector_load %arg13[%get3A_301, %get3A_302] {strides = array<i32>} : memref<256x128xf32, #tpu.memory_space<vmem>>, vector<1x16xf32>,
      %get3A_304 = vector.shape_cast %get3A_303 : vector<1x16xf32> to vector<16xf32>
      %mul3A_305 = arith.constant 11.3137083 : f32
      %mul3A_306 = vector.broadcast %mul3A_305 : f32 to vector<16xf32>
      %mul3A_307 = arith.mulf %get3A_304, %mul3A_306 : vector<16xf32>
      %add3A_308 = arith.addf %mul3A_307, %bitcast_convert_type3A_287 : vector<16xf32>
      %swap3A_309 = arith.index_cast %scan3A_242 : i32 to index
      %swap3A_310 = arith.constant 48 : index
      %swap3A_311 = tpu.vector_load %arg13[%swap3A_309, %swap3A_310] {strides = array<i32>} : memref<256x128xf32, #tpu.memory_space<vmem>>, vector<1x16xf32>,
      %swap3A_312 = vector.shape_cast %swap3A_311 : vector<1x16xf32> to vector<16xf32>
      %swap3A_313 = vector.shape_cast %add3A_308 : vector<16xf32> to vector<1x16xf32>
      tpu.vector_store %arg13[%swap3A_309, %swap3A_310], %swap3A_313 {strides = array<i32>} : memref<256x128xf32, #tpu.memory_space<vmem>>, vector<1x16xf32>,
      %get3A_314 = arith.index_cast %scan3A_242 : i32 to index
      %get3A_315 = arith.constant 32 : index
      %get3A_316 = tpu.vector_load %arg11[%get3A_314, %get3A_315] {strides = array<i32>} : memref<256x64xi32, #tpu.memory_space<vmem>>, vector<1x16xi32>,
      %get3A_317 = vector.shape_cast %get3A_316 : vector<1x16xi32> to vector<16xi32>
      %shift_left3A_318 = arith.constant 16 : i32
      %shift_left3A_319 = vector.broadcast %shift_left3A_318 : i32 to vector<16xi32>
      %shift_left3A_320 = arith.shli %get3A_317, %shift_left3A_319 : vector<16xi32>
      %bitcast_convert_type3A_321 = tpu.bitcast %shift_left3A_320 : vector<16xi32> -> vector<16xf32>
      %and3A_322 = vector.broadcast %scan3A_142 : i32 to vector<16xi32>
      %and3A_323 = arith.andi %get3A_317, %and3A_322 : vector<16xi32>
      %bitcast_convert_type3A_324 = tpu.bitcast %and3A_323 : vector<16xi32> -> vector<16xf32>
      %get3A_325 = arith.index_cast %scan3A_242 : i32 to index
      %get3A_326 = arith.constant 64 : index
      %get3A_327 = tpu.vector_load %arg13[%get3A_325, %get3A_326] {strides = array<i32>} : memref<256x128xf32, #tpu.memory_space<vmem>>, vector<1x16xf32>,
      %get3A_328 = vector.shape_cast %get3A_327 : vector<1x16xf32> to vector<16xf32>
      %mul3A_329 = arith.constant 11.3137083 : f32
      %mul3A_330 = vector.broadcast %mul3A_329 : f32 to vector<16xf32>
      %mul3A_331 = arith.mulf %get3A_328, %mul3A_330 : vector<16xf32>
      %add3A_332 = arith.addf %mul3A_331, %bitcast_convert_type3A_321 : vector<16xf32>
      %swap3A_333 = arith.index_cast %scan3A_242 : i32 to index
      %swap3A_334 = arith.constant 64 : index
      %swap3A_335 = tpu.vector_load %arg13[%swap3A_333, %swap3A_334] {strides = array<i32>} : memref<256x128xf32, #tpu.memory_space<vmem>>, vector<1x16xf32>,
      %swap3A_336 = vector.shape_cast %swap3A_335 : vector<1x16xf32> to vector<16xf32>
      %swap3A_337 = vector.shape_cast %add3A_332 : vector<16xf32> to vector<1x16xf32>
      tpu.vector_store %arg13[%swap3A_333, %swap3A_334], %swap3A_337 {strides = array<i32>} : memref<256x128xf32, #tpu.memory_space<vmem>>, vector<1x16xf32>,
      %get3A_338 = arith.index_cast %scan3A_242 : i32 to index
      %get3A_339 = arith.constant 80 : index
      %get3A_340 = tpu.vector_load %arg13[%get3A_338, %get3A_339] {strides = array<i32>} : memref<256x128xf32, #tpu.memory_space<vmem>>, vector<1x16xf32>,
      %get3A_341 = vector.shape_cast %get3A_340 : vector<1x16xf32> to vector<16xf32>
      %mul3A_342 = arith.constant 11.3137083 : f32
      %mul3A_343 = vector.broadcast %mul3A_342 : f32 to vector<16xf32>
      %mul3A_344 = arith.mulf %get3A_341, %mul3A_343 : vector<16xf32>
      %add3A_345 = arith.addf %mul3A_344, %bitcast_convert_type3A_324 : vector<16xf32>
      %swap3A_346 = arith.index_cast %scan3A_242 : i32 to index
      %swap3A_347 = arith.constant 80 : index
      %swap3A_348 = tpu.vector_load %arg13[%swap3A_346, %swap3A_347] {strides = array<i32>} : memref<256x128xf32, #tpu.memory_space<vmem>>, vector<1x16xf32>,
      %swap3A_349 = vector.shape_cast %swap3A_348 : vector<1x16xf32> to vector<16xf32>
      %swap3A_350 = vector.shape_cast %add3A_345 : vector<16xf32> to vector<1x16xf32>
      tpu.vector_store %arg13[%swap3A_346, %swap3A_347], %swap3A_350 {strides = array<i32>} : memref<256x128xf32, #tpu.memory_space<vmem>>, vector<1x16xf32>,
      %get3A_351 = arith.index_cast %scan3A_242 : i32 to index
      %get3A_352 = arith.constant 48 : index
      %get3A_353 = tpu.vector_load %arg11[%get3A_351, %get3A_352] {strides = array<i32>} : memref<256x64xi32, #tpu.memory_space<vmem>>, vector<1x16xi32>,
      %get3A_354 = vector.shape_cast %get3A_353 : vector<1x16xi32> to vector<16xi32>
      %shift_left3A_355 = arith.constant 16 : i32
      %shift_left3A_356 = vector.broadcast %shift_left3A_355 : i32 to vector<16xi32>
      %shift_left3A_357 = arith.shli %get3A_354, %shift_left3A_356 : vector<16xi32>
      %bitcast_convert_type3A_358 = tpu.bitcast %shift_left3A_357 : vector<16xi32> -> vector<16xf32>
      %and3A_359 = vector.broadcast %scan3A_142 : i32 to vector<16xi32>
      %and3A_360 = arith.andi %get3A_354, %and3A_359 : vector<16xi32>
      %bitcast_convert_type3A_361 = tpu.bitcast %and3A_360 : vector<16xi32> -> vector<16xf32>
      %get3A_362 = arith.index_cast %scan3A_242 : i32 to index
      %get3A_363 = arith.constant 96 : index
      %get3A_364 = tpu.vector_load %arg13[%get3A_362, %get3A_363] {strides = array<i32>} : memref<256x128xf32, #tpu.memory_space<vmem>>, vector<1x16xf32>,
      %get3A_365 = vector.shape_cast %get3A_364 : vector<1x16xf32> to vector<16xf32>
      %mul3A_366 = arith.constant 11.3137083 : f32
      %mul3A_367 = vector.broadcast %mul3A_366 : f32 to vector<16xf32>
      %mul3A_368 = arith.mulf %get3A_365, %mul3A_367 : vector<16xf32>
      %add3A_369 = arith.addf %mul3A_368, %bitcast_convert_type3A_358 : vector<16xf32>
      %swap3A_370 = arith.index_cast %scan3A_242 : i32 to index
      %swap3A_371 = arith.constant 96 : index
      %swap3A_372 = tpu.vector_load %arg13[%swap3A_370, %swap3A_371] {strides = array<i32>} : memref<256x128xf32, #tpu.memory_space<vmem>>, vector<1x16xf32>,
      %swap3A_373 = vector.shape_cast %swap3A_372 : vector<1x16xf32> to vector<16xf32>
      %swap3A_374 = vector.shape_cast %add3A_369 : vector<16xf32> to vector<1x16xf32>
      tpu.vector_store %arg13[%swap3A_370, %swap3A_371], %swap3A_374 {strides = array<i32>} : memref<256x128xf32, #tpu.memory_space<vmem>>, vector<1x16xf32>,
      %get3A_375 = arith.index_cast %scan3A_242 : i32 to index
      %get3A_376 = arith.constant 112 : index
      %get3A_377 = tpu.vector_load %arg13[%get3A_375, %get3A_376] {strides = array<i32>} : memref<256x128xf32, #tpu.memory_space<vmem>>, vector<1x16xf32>,
      %get3A_378 = vector.shape_cast %get3A_377 : vector<1x16xf32> to vector<16xf32>
      %mul3A_379 = arith.constant 11.3137083 : f32
      %mul3A_380 = vector.broadcast %mul3A_379 : f32 to vector<16xf32>
      %mul3A_381 = arith.mulf %get3A_378, %mul3A_380 : vector<16xf32>
      %add3A_382 = arith.addf %mul3A_381, %bitcast_convert_type3A_361 : vector<16xf32>
      %swap3A_383 = arith.index_cast %scan3A_242 : i32 to index
      %swap3A_384 = arith.constant 112 : index
      %swap3A_385 = tpu.vector_load %arg13[%swap3A_383, %swap3A_384] {strides = array<i32>} : memref<256x128xf32, #tpu.memory_space<vmem>>, vector<1x16xf32>,
      %swap3A_386 = vector.shape_cast %swap3A_385 : vector<1x16xf32> to vector<16xf32>
      %swap3A_387 = vector.shape_cast %add3A_382 : vector<16xf32> to vector<1x16xf32>
      tpu.vector_store %arg13[%swap3A_383, %swap3A_384], %swap3A_387 {strides = array<i32>} : memref<256x128xf32, #tpu.memory_space<vmem>>, vector<1x16xf32>,
      %scan3A_388 = arith.constant 0 : i32
      scf.yield %scan3A_388 : i32
    }
    %scan3A_149 = arith.constant 128 : i32
    %add3A_150 = arith.constant 0 : i32
    %add3A_151 = arith.addi %mul3A_20, %add3A_150 : i32
    %dma_start3A_152 = arith.constant 0 : i32
    %dma_start3A_153 = arith.constant 0 : i32
    %dma_start3A_154 = tpu.memref_slice %arg13[%dma_start3A_152, %dma_start3A_153] : memref<256x128xf32, #tpu.memory_space<vmem>> -> memref<128x128xf32, #tpu.memory_space<vmem>>
    %dma_start3A_155 = arith.constant 0 : i32
    %dma_start3A_156 = tpu.memref_slice %arg8[%select_n3A, %add3A_151, %dma_start3A_155] : memref<4x2048x128xf32, #tpu.memory_space<hbm>> -> memref<1x128x128xf32, #tpu.memory_space<hbm>>
    %dma_start3A_157 = tpu.memref_squeeze %dma_start3A_156 : memref<1x128x128xf32, #tpu.memory_space<hbm>> -> memref<128x128xf32, #tpu.memory_space<hbm>>
    %dma_start3A_158 = arith.constant 0 : i32
    %dma_start3A_159 = tpu.memref_slice %arg8[%select_n3A, %add3A_151, %dma_start3A_158] : memref<4x2048x128xf32, #tpu.memory_space<hbm>> -> memref<1x128x128xf32, #tpu.memory_space<hbm>>
    %dma_start3A_160 = tpu.memref_squeeze %dma_start3A_159 : memref<1x128x128xf32, #tpu.memory_space<hbm>> -> memref<128x128xf32, #tpu.memory_space<hbm>>
    %dma_start3A_161 = arith.constant 0 : i32
    %dma_start3A_162 = arith.constant 0 : i32
    %dma_start3A_163 = tpu.memref_slice %arg13[%dma_start3A_161, %dma_start3A_162] : memref<256x128xf32, #tpu.memory_space<vmem>> -> memref<128x128xf32, #tpu.memory_space<vmem>>
    tpu.enqueue_dma source(%dma_start3A_163 : memref<128x128xf32, #tpu.memory_space<vmem>>) target(%dma_start3A_160 : memref<128x128xf32, #tpu.memory_space<hbm>>) target_semaphore(%arg20 : memref<!tpu.dma_semaphore, #tpu.memory_space<semaphore_mem>>)
    %dma_wait3A_164 = arith.constant 128 : i32
    %dma_wait3A_165 = arith.constant 0 : i32
    %dma_wait3A_166 = tpu.memref_slice %arg13[%dma_wait3A_164, %dma_wait3A_165] : memref<256x128xf32, #tpu.memory_space<vmem>> -> memref<128x128xf32, #tpu.memory_space<vmem>>
    %dma_wait3A_167 = arith.constant 128 : i32
    %dma_wait3A_168 = tpu.memref_slice %arg10[%dma_wait3A_167] : memref<256xi32, #tpu.memory_space<vmem>> -> memref<128xi32, #tpu.memory_space<vmem>>
    %dma_wait3A_169 = arith.constant 0 : i32
    %dma_wait3A_170 = arith.constant 0 : i32
    %dma_wait3A_171 = tpu.memref_slice %arg5[%dma_wait3A_169, %dma_wait3A_170] : memref<1000000x128xf32, #tpu.memory_space<hbm>> -> memref<1000000x128xf32, #tpu.memory_space<hbm>>
    tpu.wait_indirect_dma semaphore(%arg15 : memref<!tpu.dma_semaphore, #tpu.memory_space<semaphore_mem>>) src(%dma_wait3A_171 : memref<1000000x128xf32, #tpu.memory_space<hbm>>) dst(%dma_wait3A_166 : memref<128x128xf32, #tpu.memory_space<vmem>>)
    %scan3A_172 = arith.constant -65536 : i32
    %scan3A_173 = arith.constant 0 : i32
    %scan3A_174 = arith.constant 128 : i32
    %scan3A_175 = arith.constant 128 : i32
    %scan3A_176 = arith.addi %scan3A_174, %scan3A_175 : i32
    %scan3A_177 = arith.constant 1 : i32
    %scan3A_178 = scf.for %scan3A_242 = %scan3A_174 to %scan3A_176 step %scan3A_177 iter_args(%scan3A_243 = %scan3A_173) -> (i32)  : i32 {
      %get3A = arith.index_cast %scan3A_242 : i32 to index
      %get3A_244 = arith.constant 0 : index
      %get3A_245 = tpu.vector_load %arg11[%get3A, %get3A_244] {strides = array<i32>} : memref<256x64xi32, #tpu.memory_space<vmem>>, vector<1x16xi32>,
      %get3A_246 = vector.shape_cast %get3A_245 : vector<1x16xi32> to vector<16xi32>
      %shift_left3A = arith.constant 16 : i32
      %shift_left3A_247 = vector.broadcast %shift_left3A : i32 to vector<16xi32>
      %shift_left3A_248 = arith.shli %get3A_246, %shift_left3A_247 : vector<16xi32>
      %bitcast_convert_type3A = tpu.bitcast %shift_left3A_248 : vector<16xi32> -> vector<16xf32>
      %and3A_249 = vector.broadcast %scan3A_172 : i32 to vector<16xi32>
      %and3A_250 = arith.andi %get3A_246, %and3A_249 : vector<16xi32>
      %bitcast_convert_type3A_251 = tpu.bitcast %and3A_250 : vector<16xi32> -> vector<16xf32>
      %get3A_252 = arith.index_cast %scan3A_242 : i32 to index
      %get3A_253 = arith.constant 0 : index
      %get3A_254 = tpu.vector_load %arg13[%get3A_252, %get3A_253] {strides = array<i32>} : memref<256x128xf32, #tpu.memory_space<vmem>>, vector<1x16xf32>,
      %get3A_255 = vector.shape_cast %get3A_254 : vector<1x16xf32> to vector<16xf32>
      %mul3A_256 = arith.constant 11.3137083 : f32
      %mul3A_257 = vector.broadcast %mul3A_256 : f32 to vector<16xf32>
      %mul3A_258 = arith.mulf %get3A_255, %mul3A_257 : vector<16xf32>
      %add3A_259 = arith.addf %mul3A_258, %bitcast_convert_type3A : vector<16xf32>
      %swap3A = arith.index_cast %scan3A_242 : i32 to index
      %swap3A_260 = arith.constant 0 : index
      %swap3A_261 = tpu.vector_load %arg13[%swap3A, %swap3A_260] {strides = array<i32>} : memref<256x128xf32, #tpu.memory_space<vmem>>, vector<1x16xf32>,
      %swap3A_262 = vector.shape_cast %swap3A_261 : vector<1x16xf32> to vector<16xf32>
      %swap3A_263 = vector.shape_cast %add3A_259 : vector<16xf32> to vector<1x16xf32>
      tpu.vector_store %arg13[%swap3A, %swap3A_260], %swap3A_263 {strides = array<i32>} : memref<256x128xf32, #tpu.memory_space<vmem>>, vector<1x16xf32>,
      %get3A_264 = arith.index_cast %scan3A_242 : i32 to index
      %get3A_265 = arith.constant 16 : index
      %get3A_266 = tpu.vector_load %arg13[%get3A_264, %get3A_265] {strides = array<i32>} : memref<256x128xf32, #tpu.memory_space<vmem>>, vector<1x16xf32>,
      %get3A_267 = vector.shape_cast %get3A_266 : vector<1x16xf32> to vector<16xf32>
      %mul3A_268 = arith.constant 11.3137083 : f32
      %mul3A_269 = vector.broadcast %mul3A_268 : f32 to vector<16xf32>
      %mul3A_270 = arith.mulf %get3A_267, %mul3A_269 : vector<16xf32>
      %add3A_271 = arith.addf %mul3A_270, %bitcast_convert_type3A_251 : vector<16xf32>
      %swap3A_272 = arith.index_cast %scan3A_242 : i32 to index
      %swap3A_273 = arith.constant 16 : index
      %swap3A_274 = tpu.vector_load %arg13[%swap3A_272, %swap3A_273] {strides = array<i32>} : memref<256x128xf32, #tpu.memory_space<vmem>>, vector<1x16xf32>,
      %swap3A_275 = vector.shape_cast %swap3A_274 : vector<1x16xf32> to vector<16xf32>
      %swap3A_276 = vector.shape_cast %add3A_271 : vector<16xf32> to vector<1x16xf32>
      tpu.vector_store %arg13[%swap3A_272, %swap3A_273], %swap3A_276 {strides = array<i32>} : memref<256x128xf32, #tpu.memory_space<vmem>>, vector<1x16xf32>,
      %get3A_277 = arith.index_cast %scan3A_242 : i32 to index
      %get3A_278 = arith.constant 16 : index
      %get3A_279 = tpu.vector_load %arg11[%get3A_277, %get3A_278] {strides = array<i32>} : memref<256x64xi32, #tpu.memory_space<vmem>>, vector<1x16xi32>,
      %get3A_280 = vector.shape_cast %get3A_279 : vector<1x16xi32> to vector<16xi32>
      %shift_left3A_281 = arith.constant 16 : i32
      %shift_left3A_282 = vector.broadcast %shift_left3A_281 : i32 to vector<16xi32>
      %shift_left3A_283 = arith.shli %get3A_280, %shift_left3A_282 : vector<16xi32>
      %bitcast_convert_type3A_284 = tpu.bitcast %shift_left3A_283 : vector<16xi32> -> vector<16xf32>
      %and3A_285 = vector.broadcast %scan3A_172 : i32 to vector<16xi32>
      %and3A_286 = arith.andi %get3A_280, %and3A_285 : vector<16xi32>
      %bitcast_convert_type3A_287 = tpu.bitcast %and3A_286 : vector<16xi32> -> vector<16xf32>
      %get3A_288 = arith.index_cast %scan3A_242 : i32 to index
      %get3A_289 = arith.constant 32 : index
      %get3A_290 = tpu.vector_load %arg13[%get3A_288, %get3A_289] {strides = array<i32>} : memref<256x128xf32, #tpu.memory_space<vmem>>, vector<1x16xf32>,
      %get3A_291 = vector.shape_cast %get3A_290 : vector<1x16xf32> to vector<16xf32>
      %mul3A_292 = arith.constant 11.3137083 : f32
      %mul3A_293 = vector.broadcast %mul3A_292 : f32 to vector<16xf32>
      %mul3A_294 = arith.mulf %get3A_291, %mul3A_293 : vector<16xf32>
      %add3A_295 = arith.addf %mul3A_294, %bitcast_convert_type3A_284 : vector<16xf32>
      %swap3A_296 = arith.index_cast %scan3A_242 : i32 to index
      %swap3A_297 = arith.constant 32 : index
      %swap3A_298 = tpu.vector_load %arg13[%swap3A_296, %swap3A_297] {strides = array<i32>} : memref<256x128xf32, #tpu.memory_space<vmem>>, vector<1x16xf32>,
      %swap3A_299 = vector.shape_cast %swap3A_298 : vector<1x16xf32> to vector<16xf32>
      %swap3A_300 = vector.shape_cast %add3A_295 : vector<16xf32> to vector<1x16xf32>
      tpu.vector_store %arg13[%swap3A_296, %swap3A_297], %swap3A_300 {strides = array<i32>} : memref<256x128xf32, #tpu.memory_space<vmem>>, vector<1x16xf32>,
      %get3A_301 = arith.index_cast %scan3A_242 : i32 to index
      %get3A_302 = arith.constant 48 : index
      %get3A_303 = tpu.vector_load %arg13[%get3A_301, %get3A_302] {strides = array<i32>} : memref<256x128xf32, #tpu.memory_space<vmem>>, vector<1x16xf32>,
      %get3A_304 = vector.shape_cast %get3A_303 : vector<1x16xf32> to vector<16xf32>
      %mul3A_305 = arith.constant 11.3137083 : f32
      %mul3A_306 = vector.broadcast %mul3A_305 : f32 to vector<16xf32>
      %mul3A_307 = arith.mulf %get3A_304, %mul3A_306 : vector<16xf32>
      %add3A_308 = arith.addf %mul3A_307, %bitcast_convert_type3A_287 : vector<16xf32>
      %swap3A_309 = arith.index_cast %scan3A_242 : i32 to index
      %swap3A_310 = arith.constant 48 : index
      %swap3A_311 = tpu.vector_load %arg13[%swap3A_309, %swap3A_310] {strides = array<i32>} : memref<256x128xf32, #tpu.memory_space<vmem>>, vector<1x16xf32>,
      %swap3A_312 = vector.shape_cast %swap3A_311 : vector<1x16xf32> to vector<16xf32>
      %swap3A_313 = vector.shape_cast %add3A_308 : vector<16xf32> to vector<1x16xf32>
      tpu.vector_store %arg13[%swap3A_309, %swap3A_310], %swap3A_313 {strides = array<i32>} : memref<256x128xf32, #tpu.memory_space<vmem>>, vector<1x16xf32>,
      %get3A_314 = arith.index_cast %scan3A_242 : i32 to index
      %get3A_315 = arith.constant 32 : index
      %get3A_316 = tpu.vector_load %arg11[%get3A_314, %get3A_315] {strides = array<i32>} : memref<256x64xi32, #tpu.memory_space<vmem>>, vector<1x16xi32>,
      %get3A_317 = vector.shape_cast %get3A_316 : vector<1x16xi32> to vector<16xi32>
      %shift_left3A_318 = arith.constant 16 : i32
      %shift_left3A_319 = vector.broadcast %shift_left3A_318 : i32 to vector<16xi32>
      %shift_left3A_320 = arith.shli %get3A_317, %shift_left3A_319 : vector<16xi32>
      %bitcast_convert_type3A_321 = tpu.bitcast %shift_left3A_320 : vector<16xi32> -> vector<16xf32>
      %and3A_322 = vector.broadcast %scan3A_172 : i32 to vector<16xi32>
      %and3A_323 = arith.andi %get3A_317, %and3A_322 : vector<16xi32>
      %bitcast_convert_type3A_324 = tpu.bitcast %and3A_323 : vector<16xi32> -> vector<16xf32>
      %get3A_325 = arith.index_cast %scan3A_242 : i32 to index
      %get3A_326 = arith.constant 64 : index
      %get3A_327 = tpu.vector_load %arg13[%get3A_325, %get3A_326] {strides = array<i32>} : memref<256x128xf32, #tpu.memory_space<vmem>>, vector<1x16xf32>,
      %get3A_328 = vector.shape_cast %get3A_327 : vector<1x16xf32> to vector<16xf32>
      %mul3A_329 = arith.constant 11.3137083 : f32
      %mul3A_330 = vector.broadcast %mul3A_329 : f32 to vector<16xf32>
      %mul3A_331 = arith.mulf %get3A_328, %mul3A_330 : vector<16xf32>
      %add3A_332 = arith.addf %mul3A_331, %bitcast_convert_type3A_321 : vector<16xf32>
      %swap3A_333 = arith.index_cast %scan3A_242 : i32 to index
      %swap3A_334 = arith.constant 64 : index
      %swap3A_335 = tpu.vector_load %arg13[%swap3A_333, %swap3A_334] {strides = array<i32>} : memref<256x128xf32, #tpu.memory_space<vmem>>, vector<1x16xf32>,
      %swap3A_336 = vector.shape_cast %swap3A_335 : vector<1x16xf32> to vector<16xf32>
      %swap3A_337 = vector.shape_cast %add3A_332 : vector<16xf32> to vector<1x16xf32>
      tpu.vector_store %arg13[%swap3A_333, %swap3A_334], %swap3A_337 {strides = array<i32>} : memref<256x128xf32, #tpu.memory_space<vmem>>, vector<1x16xf32>,
      %get3A_338 = arith.index_cast %scan3A_242 : i32 to index
      %get3A_339 = arith.constant 80 : index
      %get3A_340 = tpu.vector_load %arg13[%get3A_338, %get3A_339] {strides = array<i32>} : memref<256x128xf32, #tpu.memory_space<vmem>>, vector<1x16xf32>,
      %get3A_341 = vector.shape_cast %get3A_340 : vector<1x16xf32> to vector<16xf32>
      %mul3A_342 = arith.constant 11.3137083 : f32
      %mul3A_343 = vector.broadcast %mul3A_342 : f32 to vector<16xf32>
      %mul3A_344 = arith.mulf %get3A_341, %mul3A_343 : vector<16xf32>
      %add3A_345 = arith.addf %mul3A_344, %bitcast_convert_type3A_324 : vector<16xf32>
      %swap3A_346 = arith.index_cast %scan3A_242 : i32 to index
      %swap3A_347 = arith.constant 80 : index
      %swap3A_348 = tpu.vector_load %arg13[%swap3A_346, %swap3A_347] {strides = array<i32>} : memref<256x128xf32, #tpu.memory_space<vmem>>, vector<1x16xf32>,
      %swap3A_349 = vector.shape_cast %swap3A_348 : vector<1x16xf32> to vector<16xf32>
      %swap3A_350 = vector.shape_cast %add3A_345 : vector<16xf32> to vector<1x16xf32>
      tpu.vector_store %arg13[%swap3A_346, %swap3A_347], %swap3A_350 {strides = array<i32>} : memref<256x128xf32, #tpu.memory_space<vmem>>, vector<1x16xf32>,
      %get3A_351 = arith.index_cast %scan3A_242 : i32 to index
      %get3A_352 = arith.constant 48 : index
      %get3A_353 = tpu.vector_load %arg11[%get3A_351, %get3A_352] {strides = array<i32>} : memref<256x64xi32, #tpu.memory_space<vmem>>, vector<1x16xi32>,
      %get3A_354 = vector.shape_cast %get3A_353 : vector<1x16xi32> to vector<16xi32>
      %shift_left3A_355 = arith.constant 16 : i32
      %shift_left3A_356 = vector.broadcast %shift_left3A_355 : i32 to vector<16xi32>
      %shift_left3A_357 = arith.shli %get3A_354, %shift_left3A_356 : vector<16xi32>
      %bitcast_convert_type3A_358 = tpu.bitcast %shift_left3A_357 : vector<16xi32> -> vector<16xf32>
      %and3A_359 = vector.broadcast %scan3A_172 : i32 to vector<16xi32>
      %and3A_360 = arith.andi %get3A_354, %and3A_359 : vector<16xi32>
      %bitcast_convert_type3A_361 = tpu.bitcast %and3A_360 : vector<16xi32> -> vector<16xf32>
      %get3A_362 = arith.index_cast %scan3A_242 : i32 to index
      %get3A_363 = arith.constant 96 : index
      %get3A_364 = tpu.vector_load %arg13[%get3A_362, %get3A_363] {strides = array<i32>} : memref<256x128xf32, #tpu.memory_space<vmem>>, vector<1x16xf32>,
      %get3A_365 = vector.shape_cast %get3A_364 : vector<1x16xf32> to vector<16xf32>
      %mul3A_366 = arith.constant 11.3137083 : f32
      %mul3A_367 = vector.broadcast %mul3A_366 : f32 to vector<16xf32>
      %mul3A_368 = arith.mulf %get3A_365, %mul3A_367 : vector<16xf32>
      %add3A_369 = arith.addf %mul3A_368, %bitcast_convert_type3A_358 : vector<16xf32>
      %swap3A_370 = arith.index_cast %scan3A_242 : i32 to index
      %swap3A_371 = arith.constant 96 : index
      %swap3A_372 = tpu.vector_load %arg13[%swap3A_370, %swap3A_371] {strides = array<i32>} : memref<256x128xf32, #tpu.memory_space<vmem>>, vector<1x16xf32>,
      %swap3A_373 = vector.shape_cast %swap3A_372 : vector<1x16xf32> to vector<16xf32>
      %swap3A_374 = vector.shape_cast %add3A_369 : vector<16xf32> to vector<1x16xf32>
      tpu.vector_store %arg13[%swap3A_370, %swap3A_371], %swap3A_374 {strides = array<i32>} : memref<256x128xf32, #tpu.memory_space<vmem>>, vector<1x16xf32>,
      %get3A_375 = arith.index_cast %scan3A_242 : i32 to index
      %get3A_376 = arith.constant 112 : index
      %get3A_377 = tpu.vector_load %arg13[%get3A_375, %get3A_376] {strides = array<i32>} : memref<256x128xf32, #tpu.memory_space<vmem>>, vector<1x16xf32>,
      %get3A_378 = vector.shape_cast %get3A_377 : vector<1x16xf32> to vector<16xf32>
      %mul3A_379 = arith.constant 11.3137083 : f32
      %mul3A_380 = vector.broadcast %mul3A_379 : f32 to vector<16xf32>
      %mul3A_381 = arith.mulf %get3A_378, %mul3A_380 : vector<16xf32>
      %add3A_382 = arith.addf %mul3A_381, %bitcast_convert_type3A_361 : vector<16xf32>
      %swap3A_383 = arith.index_cast %scan3A_242 : i32 to index
      %swap3A_384 = arith.constant 112 : index
      %swap3A_385 = tpu.vector_load %arg13[%swap3A_383, %swap3A_384] {strides = array<i32>} : memref<256x128xf32, #tpu.memory_space<vmem>>, vector<1x16xf32>,
      %swap3A_386 = vector.shape_cast %swap3A_385 : vector<1x16xf32> to vector<16xf32>
      %swap3A_387 = vector.shape_cast %add3A_382 : vector<16xf32> to vector<1x16xf32>
      tpu.vector_store %arg13[%swap3A_383, %swap3A_384], %swap3A_387 {strides = array<i32>} : memref<256x128xf32, #tpu.memory_space<vmem>>, vector<1x16xf32>,
      %scan3A_388 = arith.constant 0 : i32
      scf.yield %scan3A_388 : i32
    }
    %scan3A_179 = arith.constant 128 : i32
    %add3A_180 = arith.constant 128 : i32
    %add3A_181 = arith.addi %mul3A_20, %add3A_180 : i32
    %dma_start3A_182 = arith.constant 128 : i32
    %dma_start3A_183 = arith.constant 0 : i32
    %dma_start3A_184 = tpu.memref_slice %arg13[%dma_start3A_182, %dma_start3A_183] : memref<256x128xf32, #tpu.memory_space<vmem>> -> memref<128x128xf32, #tpu.memory_space<vmem>>
    %dma_start3A_185 = arith.constant 0 : i32
    %dma_start3A_186 = tpu.memref_slice %arg8[%select_n3A, %add3A_181, %dma_start3A_185] : memref<4x2048x128xf32, #tpu.memory_space<hbm>> -> memref<1x128x128xf32, #tpu.memory_space<hbm>>
    %dma_start3A_187 = tpu.memref_squeeze %dma_start3A_186 : memref<1x128x128xf32, #tpu.memory_space<hbm>> -> memref<128x128xf32, #tpu.memory_space<hbm>>
    %dma_start3A_188 = arith.constant 0 : i32
    %dma_start3A_189 = tpu.memref_slice %arg8[%select_n3A, %add3A_181, %dma_start3A_188] : memref<4x2048x128xf32, #tpu.memory_space<hbm>> -> memref<1x128x128xf32, #tpu.memory_space<hbm>>
    %dma_start3A_190 = tpu.memref_squeeze %dma_start3A_189 : memref<1x128x128xf32, #tpu.memory_space<hbm>> -> memref<128x128xf32, #tpu.memory_space<hbm>>
    %dma_start3A_191 = arith.constant 128 : i32
    %dma_start3A_192 = arith.constant 0 : i32
    %dma_start3A_193 = tpu.memref_slice %arg13[%dma_start3A_191, %dma_start3A_192] : memref<256x128xf32, #tpu.memory_space<vmem>> -> memref<128x128xf32, #tpu.memory_space<vmem>>
    tpu.enqueue_dma source(%dma_start3A_193 : memref<128x128xf32, #tpu.memory_space<vmem>>) target(%dma_start3A_190 : memref<128x128xf32, #tpu.memory_space<hbm>>) target_semaphore(%arg20 : memref<!tpu.dma_semaphore, #tpu.memory_space<semaphore_mem>>)
    %dma_wait3A_194 = arith.constant 0 : i32
    %dma_wait3A_195 = arith.constant 0 : i32
    %dma_wait3A_196 = tpu.memref_slice %arg12[%dma_wait3A_194, %dma_wait3A_195] : memref<256x128xf32, #tpu.memory_space<vmem>> -> memref<128x128xf32, #tpu.memory_space<vmem>>
    %dma_wait3A_197 = arith.constant 0 : i32
    %dma_wait3A_198 = tpu.memref_slice %arg7[%select_n3A, %add3A_91, %dma_wait3A_197] : memref<4x2048x128xf32, #tpu.memory_space<hbm>> -> memref<1x128x128xf32, #tpu.memory_space<hbm>>
    %dma_wait3A_199 = tpu.memref_squeeze %dma_wait3A_198 : memref<1x128x128xf32, #tpu.memory_space<hbm>> -> memref<128x128xf32, #tpu.memory_space<hbm>>
    %dma_wait3A_200 = arith.constant 0 : i32
    %dma_wait3A_201 = tpu.memref_slice %arg7[%select_n3A, %add3A_91, %dma_wait3A_200] : memref<4x2048x128xf32, #tpu.memory_space<hbm>> -> memref<1x128x128xf32, #tpu.memory_space<hbm>>
    %dma_wait3A_202 = tpu.memref_squeeze %dma_wait3A_201 : memref<1x128x128xf32, #tpu.memory_space<hbm>> -> memref<128x128xf32, #tpu.memory_space<hbm>>
    %dma_wait3A_203 = arith.constant 0 : i32
    %dma_wait3A_204 = arith.constant 0 : i32
    %dma_wait3A_205 = tpu.memref_slice %arg12[%dma_wait3A_203, %dma_wait3A_204] : memref<256x128xf32, #tpu.memory_space<vmem>> -> memref<128x128xf32, #tpu.memory_space<vmem>>
    tpu.wait_dma2 semaphore(%arg19 : memref<!tpu.dma_semaphore, #tpu.memory_space<semaphore_mem>>) src(%dma_wait3A_205 : memref<128x128xf32, #tpu.memory_space<vmem>>) dst(%dma_wait3A_202 : memref<128x128xf32, #tpu.memory_space<hbm>>)
    %dma_wait3A_206 = arith.constant 128 : i32
    %dma_wait3A_207 = arith.constant 0 : i32
    %dma_wait3A_208 = tpu.memref_slice %arg12[%dma_wait3A_206, %dma_wait3A_207] : memref<256x128xf32, #tpu.memory_space<vmem>> -> memref<128x128xf32, #tpu.memory_space<vmem>>
    %dma_wait3A_209 = arith.constant 0 : i32
    %dma_wait3A_210 = tpu.memref_slice %arg7[%select_n3A, %add3A_121, %dma_wait3A_209] : memref<4x2048x128xf32, #tpu.memory_space<hbm>> -> memref<1x128x128xf32, #tpu.memory_space<hbm>>
    %dma_wait3A_211 = tpu.memref_squeeze %dma_wait3A_210 : memref<1x128x128xf32, #tpu.memory_space<hbm>> -> memref<128x128xf32, #tpu.memory_space<hbm>>
    %dma_wait3A_212 = arith.constant 0 : i32
    %dma_wait3A_213 = tpu.memref_slice %arg7[%select_n3A, %add3A_121, %dma_wait3A_212] : memref<4x2048x128xf32, #tpu.memory_space<hbm>> -> memref<1x128x128xf32, #tpu.memory_space<hbm>>
    %dma_wait3A_214 = tpu.memref_squeeze %dma_wait3A_213 : memref<1x128x128xf32, #tpu.memory_space<hbm>> -> memref<128x128xf32, #tpu.memory_space<hbm>>
    %dma_wait3A_215 = arith.constant 128 : i32
    %dma_wait3A_216 = arith.constant 0 : i32
    %dma_wait3A_217 = tpu.memref_slice %arg12[%dma_wait3A_215, %dma_wait3A_216] : memref<256x128xf32, #tpu.memory_space<vmem>> -> memref<128x128xf32, #tpu.memory_space<vmem>>
    tpu.wait_dma2 semaphore(%arg19 : memref<!tpu.dma_semaphore, #tpu.memory_space<semaphore_mem>>) src(%dma_wait3A_217 : memref<128x128xf32, #tpu.memory_space<vmem>>) dst(%dma_wait3A_214 : memref<128x128xf32, #tpu.memory_space<hbm>>)
    %dma_wait3A_218 = arith.constant 0 : i32
    %dma_wait3A_219 = arith.constant 0 : i32
    %dma_wait3A_220 = tpu.memref_slice %arg13[%dma_wait3A_218, %dma_wait3A_219] : memref<256x128xf32, #tpu.memory_space<vmem>> -> memref<128x128xf32, #tpu.memory_space<vmem>>
    %dma_wait3A_221 = arith.constant 0 : i32
    %dma_wait3A_222 = tpu.memref_slice %arg8[%select_n3A, %add3A_151, %dma_wait3A_221] : memref<4x2048x128xf32, #tpu.memory_space<hbm>> -> memref<1x128x128xf32, #tpu.memory_space<hbm>>
    %dma_wait3A_223 = tpu.memref_squeeze %dma_wait3A_222 : memref<1x128x128xf32, #tpu.memory_space<hbm>> -> memref<128x128xf32, #tpu.memory_space<hbm>>
    %dma_wait3A_224 = arith.constant 0 : i32
    %dma_wait3A_225 = tpu.memref_slice %arg8[%select_n3A, %add3A_151, %dma_wait3A_224] : memref<4x2048x128xf32, #tpu.memory_space<hbm>> -> memref<1x128x128xf32, #tpu.memory_space<hbm>>
    %dma_wait3A_226 = tpu.memref_squeeze %dma_wait3A_225 : memref<1x128x128xf32, #tpu.memory_space<hbm>> -> memref<128x128xf32, #tpu.memory_space<hbm>>
    %dma_wait3A_227 = arith.constant 0 : i32
    %dma_wait3A_228 = arith.constant 0 : i32
    %dma_wait3A_229 = tpu.memref_slice %arg13[%dma_wait3A_227, %dma_wait3A_228] : memref<256x128xf32, #tpu.memory_space<vmem>> -> memref<128x128xf32, #tpu.memory_space<vmem>>
    tpu.wait_dma2 semaphore(%arg20 : memref<!tpu.dma_semaphore, #tpu.memory_space<semaphore_mem>>) src(%dma_wait3A_229 : memref<128x128xf32, #tpu.memory_space<vmem>>) dst(%dma_wait3A_226 : memref<128x128xf32, #tpu.memory_space<hbm>>)
    %dma_wait3A_230 = arith.constant 128 : i32
    %dma_wait3A_231 = arith.constant 0 : i32
    %dma_wait3A_232 = tpu.memref_slice %arg13[%dma_wait3A_230, %dma_wait3A_231] : memref<256x128xf32, #tpu.memory_space<vmem>> -> memref<128x128xf32, #tpu.memory_space<vmem>>
    %dma_wait3A_233 = arith.constant 0 : i32
    %dma_wait3A_234 = tpu.memref_slice %arg8[%select_n3A, %add3A_181, %dma_wait3A_233] : memref<4x2048x128xf32, #tpu.memory_space<hbm>> -> memref<1x128x128xf32, #tpu.memory_space<hbm>>
    %dma_wait3A_235 = tpu.memref_squeeze %dma_wait3A_234 : memref<1x128x128xf32, #tpu.memory_space<hbm>> -> memref<128x128xf32, #tpu.memory_space<hbm>>
    %dma_wait3A_236 = arith.constant 0 : i32
    %dma_wait3A_237 = tpu.memref_slice %arg8[%select_n3A, %add3A_181, %dma_wait3A_236] : memref<4x2048x128xf32, #tpu.memory_space<hbm>> -> memref<1x128x128xf32, #tpu.memory_space<hbm>>
    %dma_wait3A_238 = tpu.memref_squeeze %dma_wait3A_237 : memref<1x128x128xf32, #tpu.memory_space<hbm>> -> memref<128x128xf32, #tpu.memory_space<hbm>>
    %dma_wait3A_239 = arith.constant 128 : i32
    %dma_wait3A_240 = arith.constant 0 : i32
    %dma_wait3A_241 = tpu.memref_slice %arg13[%dma_wait3A_239, %dma_wait3A_240] : memref<256x128xf32, #tpu.memory_space<vmem>> -> memref<128x128xf32, #tpu.memory_space<vmem>>
    tpu.wait_dma2 semaphore(%arg20 : memref<!tpu.dma_semaphore, #tpu.memory_space<semaphore_mem>>) src(%dma_wait3A_241 : memref<128x128xf32, #tpu.memory_space<vmem>>) dst(%dma_wait3A_238 : memref<128x128xf32, #tpu.memory_space<hbm>>)
    return
  }
}

</mosaic_0001>

<sc_bundles>
// kernel: kernel.3.cloned.1.call-start
scs
__scs_entry_jumppad:
0x0: {  	(pc) =	sbr.rel $0x88, $3  }
0x1: {  	(tag) =	ssettag $0x0;
	lr =	simm.s32 $0x1  }
0x2: {  	[smem:$0x3F9D] =	sst lr;
	_ =	strace $0xD0000000  }
0x3: {  	_ = 	snop  }
0x4: {  	_ = 	snop  }
0x5: {  	_ = 	snop  }
0x6: {  	_ = 	snop  }
0x7: {  	_ = 	snop  }
__scs_overlays_trampoline_lowered:
0x8: {  	[smem:$0x3FAC] =	sst s0  }
0x9: {  	[smem:$0x3FAD] =	sst s1  }
0xa: {  	[smem:$0x3FAE] =	sst s2  }
0xb: {  	[smem:$0x3FAF] =	sst s3  }
0xc: {  	[smem:$0x3FB0] =	sst s4  }
0xd: {  	[smem:$0x3FB1] =	sst s5  }
0xe: {  	[smem:$0x3FB2] =	sst s6  }
0xf: {  	[smem:$0x3FB3] =	sst s7  }
0x10: {  	[smem:$0x3FB4] =	sst s8  }
0x11: {  	[smem:$0x3FB5] =	sst s9;
	s0 =	simm.s32 @!p0 $0x0  }
0x12: {  	s1 =	sld [smem:$0x3F9B];
	s0 =	simm.s32 @p0 $0x1  }
0x13: {  	[smem:$0x3FB6] =	sst s0;
	s0 =	simm.s32 @!p1 $0x0  }
0x14: {  	s2 =	sld [smem:$0x3F9A];
	s0 =	simm.s32 @p1 $0x1  }
0x15: {  	[smem:$0x3FB7] =	sst s0;
	s0 =	simm.s32 @!p2 $0x0  }
0x16: {  	s3 =	sld [smem:$0x3FDB];
	s0 =	simm.s32 @p2 $0x1  }
0x17: {  	s4 =	simm.s32 $0x1BF5;
	[smem:$0x3FB9] =	sst s0  }
0x18: {  	s0 =	sld [smem:$0x3F9C];
	_ =	swait.ge [sflag:s4], $0x0  }
0x19: {  	s7 =	sld [smem:$0x3F9D]  }
0x1a: {  	s8 =	sadd.s32 $0xFFFFE003, lr  }
0x1b: {  	s9 =	sadd.s32 $0xFFFFFEF7, lr;
	s5 =	simm.s32 $0xFFFFFFFF;
	p2 =	slt.u32 s8, $0xFFFFF086  }
0x1c: {  	p1 =	slt.u32 s9, $0xF7A;
	s5 =	simm.s32 @!p2 $0x0  }
0x1d: {  	s5 =	simm.s32 @p1 $0x1;
	p0 =	seq.s32 s7, s2  }
0x1e: {  	s7 =	smul.u32 @!p0 $0xF7A, s2;
	p2 =	seq.s32 @!p0 s5, $0x0  }
0x1f: {  	s9 =	smul.u32 $0xF7A, s1;
	s8 =	simm.s32 @!p0 $0x1BF5;
	p2 =	por !p2, p0  }
0x20: {  	[sflag:s8] =	ssyncset.s32 @!p0 $0xFFFFF086;
	s6 =	sadd.s32 @!p0 s3, s7;
	s7 =	simm.s32 @!p0 $0x108  }
0x21: {  	s3 =	sadd.s32 s3, s9;
	s6 =	sadd.s32 @!p0 $0x88, s6;
	s7 =	simm.s32 @p2 $0x1082  }
0x22: {  	[simem:s7], [sflag:s8] =	dma.local @!p0 [hbm:s6], $0xF7A  }
0x23: {  	s9 =	sor.u32 $0xD0000000, s2;
	s6 =	simm.s32 $0x108;
	_ =	swait.ge @!p0 [sflag:s8], $0x0  }
0x24: {  	s3 =	sadd.s32 $0x88, s3;
	s6 =	simm.s32 @!p1 $0x1082;
	[sflag:s4] =	ssyncset.s32 $0xFFFFF086  }
0x25: {  	[simem:s6], [sflag:s4] =	dma.local [hbm:s3], $0xF7A  }
0x26: {  	[smem:$0x3F9D] =	sst s1;
	(tag) =	ssettag s2;
	_ =	strace s9  }
0x27: {  	s1 =	sld [smem:$0x3FAD]  }
0x28: {  	s2 =	sld [smem:$0x3FAE]  }
0x29: {  	s4 =	sld [smem:$0x3FB0]  }
0x2a: {  	p0 =	seq.s32 s5, $0x0;
	s5 =	sld [smem:$0x3FB1]  }
0x2b: {  	s6 =	sld [smem:$0x3FB2]  }
0x2c: {  	s7 =	sld [smem:$0x3FB3]  }
0x2d: {  	s3 =	simm.s32 $0x108;
	s8 =	sld [smem:$0x3FB4]  }
0x2e: {  	s3 =	simm.s32 @!p0 $0x1082;
	s9 =	sld [smem:$0x3FB5]  }
0x2f: {  	lr =	sadd.s32 s0, s3;
	s0 =	sld [smem:$0x3FAC]  }
0x30: {  	s3 =	sld [smem:$0x3FAF]  }
0x31: {  	[smem:$0x3FB8] =	sst s10  }
0x32: {  	s10 =	sld [smem:$0x3FB6];
	_ =	sdelay $0x3  }
0x33: {  	p0 =	seq.s32 s10, $0x1;
	s10 =	sld [smem:$0x3FB8];
	_ =	sdelay $0x3  }
0x34: {  	[smem:$0x3FB8] =	sst s10  }
0x35: {  	s10 =	sld [smem:$0x3FB7];
	_ =	sdelay $0x3  }
0x36: {  	p1 =	seq.s32 s10, $0x1;
	s10 =	sld [smem:$0x3FB8];
	_ =	sdelay $0x3  }
0x37: {  	[smem:$0x3FB8] =	sst s10  }
0x38: {  	s10 =	sld [smem:$0x3FB9]  }
0x39: {  	_ = 	snop;
	(pc) =	sbr.ind lr, $3  }
0x3a: {  	_ = 	snop  }
0x3b: {  	_ = 	snop  }
0x3c: {  	p2 =	seq.s32 s10, $0x1;
	s10 =	sld [smem:$0x3FB8]  }
0x3d: {  	_ =	shalt  }
0x3e: {  	_ =	shalt  }
0x3f: {  	_ =	shalt  }
0x40: {  	_ =	shalt  }
0x41: {  	_ =	shalt  }
0x42: {  	_ =	shalt  }
0x43: {  	_ =	shalt  }
0x44: {  	_ =	shalt  }
0x45: {  	_ =	shalt  }
0x46: {  	_ =	shalt  }
0x47: {  	_ =	shalt  }
0x48: {  	_ =	shalt  }
0x49: {  	_ =	shalt  }
0x4a: {  	_ =	shalt  }
0x4b: {  	_ =	shalt  }
0x4c: {  	_ =	shalt  }
0x4d: {  	_ =	shalt  }
0x4e: {  	_ =	shalt  }
0x4f: {  	_ =	shalt  }
0x50: {  	_ =	shalt  }
0x51: {  	_ =	shalt  }
0x52: {  	_ =	shalt  }
0x53: {  	_ =	shalt  }
0x54: {  	_ =	shalt  }
0x55: {  	_ =	shalt  }
0x56: {  	_ =	shalt  }
0x57: {  	_ =	shalt  }
0x58: {  	_ =	shalt  }
0x59: {  	_ =	shalt  }
0x5a: {  	_ =	shalt  }
0x5b: {  	_ =	shalt  }
0x5c: {  	_ =	shalt  }
0x5d: {  	_ =	shalt  }
0x5e: {  	_ =	shalt  }
0x5f: {  	_ =	shalt  }
0x60: {  	_ =	shalt  }
0x61: {  	_ =	shalt  }
0x62: {  	_ =	shalt  }
0x63: {  	_ =	shalt  }
0x64: {  	_ =	shalt  }
0x65: {  	_ =	shalt  }
0x66: {  	_ =	shalt  }
0x67: {  	_ =	shalt  }
0x68: {  	_ =	shalt  }
0x69: {  	_ =	shalt  }
0x6a: {  	_ =	shalt  }
0x6b: {  	_ =	shalt  }
0x6c: {  	_ =	shalt  }
0x6d: {  	_ =	shalt  }
0x6e: {  	_ =	shalt  }
0x6f: {  	_ =	shalt  }
0x70: {  	_ =	shalt  }
0x71: {  	_ =	shalt  }
0x72: {  	_ =	shalt  }
0x73: {  	_ =	shalt  }
0x74: {  	_ =	shalt  }
0x75: {  	_ =	shalt  }
0x76: {  	_ =	shalt  }
0x77: {  	_ =	shalt  }
0x78: {  	_ =	shalt  }
0x79: {  	_ =	shalt  }
0x7a: {  	_ =	shalt  }
0x7b: {  	_ =	shalt  }
0x7c: {  	_ =	shalt  }
0x7d: {  	_ =	shalt  }
0x7e: {  	_ =	shalt  }
0x7f: {  	_ =	shalt  }
0x80: {  	_ =	shalt  }
0x81: {  	_ =	shalt  }
0x82: {  	_ =	shalt  }
0x83: {  	_ =	shalt  }
0x84: {  	_ =	shalt  }
0x85: {  	_ =	shalt  }
0x86: {  	_ =	shalt  }
0x87: {  	_ =	shalt  }
.Lfunc_end0:
.L_simem_size_0:
called_computation_lowered:
.L_overlay_start_0:
0x88: {  	s2 =	sld [smem:$0x3FD9]  }
0x89: {  	s3 =	sld [smem:$0x3FFE];
	_ =	sdelay $0x1  }
0x8a: {  	s1 =	srdreg.scid  }
0x8b: {  	s0 =	sand.u32 $0x1, s1  }
0x8c: {  	s14 =	sshll.u32 s0, $0xA;
	s2 =	sadd.s32 s3, s2  }
0x8d: {  	s2 =	sadd.s32 s2, s14  }
0x8e: {  	[smem:$0x3FC4] =	sst s2  }
0x8f: {  	_ = 	snop  }
0x90: {  	s2 =	sld [smem:$0x3FC9]  }
0x91: {  	s15 =	sld [smem:$0x3FD0]  }
0x92: {  	s4 =	sld [smem:$0x3FC8]  }
0x93: {  	s5 =	sld [smem:$0x3FC7]  }
0x94: {  	s7 =	simm.s32 $0xA;
	s8 =	simm.s32 $0x10;
	s6 =	sld [smem:$0x3FC6]  }
0x95: {  	[smem:s8], [sflag:s7] =	dma.local [hbm:s15], $0x1  }
0x96: {  	_ =	swait.eq [sflag:s7], $0x1  }
0x97: {  	[sflag:s7] =	ssyncset.done $0x0  }
0x98: {  	s16 =	sld [smem:$0x10];
	[sflag:s7] =	ssyncadd.s32 $0xFFFFFFFF  }
0x99: {  	s17 =	sld [smem:$0x11];
	(tm) =	ssettm $0x1  }
0x9a: {  	s18 =	sld [smem:$0x3FFB];
	_ =	sdelay $0x3  }
0x9b: {  	_ =	strace s18  }
0x9c: {  	s8 =	sld [smem:$0x3FFC];
	_ =	sdelay $0x3  }
0x9d: {  	_ =	strace s8  }
0x9e: {  	s8 =	sld [smem:$0x3FFD];
	_ =	sdelay $0x3  }
0x9f: {  	_ =	strace s8  }
0xa0: {  	_ =	strace $0x8FFFFFFF  }
0xa1: {  	s19 =	sld [smem:$0x3FDB];
	_ =	sdelay $0x1  }
0xa2: {  	s9 =	simm.s32 $_scs_section_size  }
0xa3: {  	s10 =	simm.s32 $_size__tile_overlayer_lowered;
	s11 =	simm.s32 $_tile_overlayer_lowered  }
0xa4: {  	s22 =	simm.s32 $0x1BFF;
	s21 =	sshll.u32 s11, $0x1;
	s8 =	sadd.s32 s9, s19  }
0xa5: {  	s12 =	simm.s32 $0x0;
	s20 =	sshll.u32 s10, $0x1;
	s10 =	sadd.s32 s21, s8  }
0xa6: {  	[timem:s12], [sflag:s22] =	dma.local [hbm:s10], s20  }
0xa7: {  	_ =	swait.ge [sflag:s22], s20  }
0xa8: {  	s9 =	ssub.s32 $0x0, s20;
	[sflag:s22] =	ssyncset.done $0x0  }
0xa9: {  	[sflag:s22] =	ssyncadd.s32 s9;
	_ =	sdelay $0x1  }
0xaa: {  	s23 =	simm.s32 $0x1B8B  }
0xab: {  	_ =	swait.ge [sflag:s23], $0x1  }
0xac: {  	[sflag:s23] =	ssyncset.done $0x0  }
0xad: {  	s25 =	simm.s32 $0x1B8E;
	s24 =	sld [smem:$0x3FFE];
	[sflag:s23] =	ssyncadd.s32 $0xFFFFFFFF  }
0xae: {  	s26 =	simm.s32 $execute0_lowered;
	[smem:$0x3FD2] =	sst s25  }
0xaf: {  	s10 =	sshll.u32 s26, $0x1;
	_ =	strace $0x80000046;
	[dreg:$0x1] =	wrdreg $0xFFFFFFFF  }
0xb0: {  	s28 =	simm.s32 $_size_execute0_lowered;
	s8 =	sadd.s32 s8, s10;
	[dreg:$0x0] =	wrdreg $0x0  }
0xb1: {  	s10 =	sshll.u32 s28, $0x1;
	[dreg:$0x2] =	wrdreg s8  }
0xb2: {  	[dreg:$0x3] =	wrdreg s10  }
0xb3: {  	[dreg:$0x4] =	wrdreg $0xC0  }
0xb4: {  	_ =	task [dreg:s12], $0x5FFFF  }
0xb5: {  	[dreg:$0x1] =	wrdreg $0xFFFFFFFF  }
0xb6: {  	[dreg:$0x0] =	wrdreg $0x60  }
0xb7: {  	[dreg:$0x2] =	wrdreg s2  }
0xb8: {  	[dreg:$0x3] =	wrdreg s4  }
0xb9: {  	[dreg:$0x4] =	wrdreg s5  }
0xba: {  	[dreg:$0x5] =	wrdreg s6  }
0xbb: {  	[dreg:$0x6] =	wrdreg s24  }
0xbc: {  	[dreg:$0x7] =	wrdreg s16  }
0xbd: {  	[dreg:$0x8] =	wrdreg s17  }
0xbe: {  	[dreg:$0x9] =	wrdreg $0x9  }
0xbf: {  	_ =	task.clear_ibuf [dreg:s12], $0xAFFFF;
	_ =	strace $0x90000046  }
0xc0: {  	s29 =	simm.s32 $0x9;
	_ =	strace $0x80000048  }
0xc1: {  	_ =	swait.ge [sflag:s29], $0x1  }
0xc2: {  	[sflag:s29] =	ssyncadd.s32 $0xFFFFFFFF  }
0xc3: {  	_ =	strace $0x90000048  }
0xc4: {  	_ =	sfence  }
0xc5: {  	s30 =	sld [smem:$0x0];
	_ =	sdelay $0x2  }
0xc6: {  	s31 =	sshll.u32 s1, $0xD;
	s1 =	sshrl.u32 s1, $0x2  }
0xc7: {  	s3 =	sand.u32 $0x4000, s31;
	s1 =	sadd.s32 s1, s30  }
0xc8: {  	s0 =	sor.u32 s3, s0;
	s1 =	sshll.u32 s1, $0x11  }
0xc9: {  	s0 =	sor.u32 s1, s0  }
0xca: {  	s0 =	sadd.s32 $0x8F2B, s0  }
0xcb: {  	[sflag:s0] =	ssyncadd.remote.s32 $0x1  }
0xcc: {  	_ =	sfence.sel $0xFFFF  }
0xcd: {  	[dreg:$0x0] =	wrdreg $0xFFFFFFFF;
	(pc) =	sbr.abs _section_cstart, $3  }
0xce: {  	[dreg:$0x1] =	wrdreg $0xFFFFFFFF  }
0xcf: {  	_ =	task.clear_ibuf [dreg:s12], $0x2FFFF;
	_ =	strace $0x9FFFFFFF  }
0xd0: {  	(tm) =	ssettm $0x7FFFFFFF  }
0xd1: {  	_ =	shalt  }
tec
execute0_lowered:
.L_overlay_start_1:
0x0: {  	(tag) =	ssettag $0x1  }
0x1: {  	s5 =	rddreg [dreg:$0x0]  }
0x2: {  	s6 =	rddreg [dreg:$0x1]  }
0x3: {  	s1 =	rddreg [dreg:$0x2]  }
0x4: {  	s2 =	rddreg [dreg:$0x3]  }
0x5: {  	s7 =	rddreg [dreg:$0x4]  }
0x6: {  	s0 =	stileid.u32;
	s9 =	rddreg [dreg:$0x5]  }
0x7: {  	s3 =	srdreg.scid;
	s11 =	rddreg [dreg:$0x6];
	s16 =	simm.s32 $0x4  }
0x8: {  	s17 =	simm.s32 $0x8200;
	s18 =	simm.s32 $0xC200;
	s19 =	simm.s32 $0x5  }
0x9: {  	s20 =	simm.s32 $0x10200;
	s21 =	simm.s32 $0x180;
	s22 =	simm.s32 $0x14200  }
0xa: {  	s23 =	simm.s32 $0x3;
	s24 =	simm.s32 $0x1;
	s25 =	simm.s32 $0x2  }
0xb: {  	s26 =	simm.s32 $0x6;
	s28 =	simm.s32 $0x7;
	s29 =	simm.s32 $0x0  }
0xc: {  	s4 =	sshll.u32 s0, $0x1;
	s8 =	sand.u32 $0x1, s3;
	s13 =	sshrl.u32 s0, $0x2  }
0xd: {  	s10 =	sand.u32 $0x6, s4;
	s4 =	simm.s32 $0x0;
	s14 =	sshll.u32 s13, $0x4  }
0xe: {  	s13 =	sshll.u32 s13, $0xF;
	s10 =	sor.u32 s8, s10;
	[smem:$0x7FF] =	sst s4  }
0xf: {  	s8 =	ssub.s32 $0x2, s8;
	s12 =	sshll.u32 s10, $0xC;
	_ =	strace $0x80000047  }
0x10: {  	s10 =	sshll.u32 s10, $0x7;
	s15 =	sshrl.u32 s8, $0x1;
	s7 =	sadd.s32 s12, s7  }
0x11: {  	s10 =	sor.u32 s14, s10;
	s31 =	ssub.s32 s8, s15;
	s12 =	sor.u32 s13, s12  }
0x12: {  	s14 =	simm.s32 $0x200;
	s15 =	simm.s32 $0x100;
	s5 =	sadd.s32 s5, s10  }
0x13: {  	s6 =	sadd.s32 s6, s10;
	s7 =	sadd.s32 $0x600, s7;
	s13 =	sor.u32 $0x800, s12  }
0x14: {  	s8 =	sadd.s32 s9, s12;
	s10 =	sadd.s32 s11, s12;
	s12 =	smax.u32 s31, $0x1  }
0x15: {  	s9 =	sadd.s32 s9, s13;
	s11 =	sadd.s32 s11, s13;
	s13 =	simm.s32 $0x80  }
.LBB2_1:
0x16: {  	[tilespmem:s4], [sflag:$0x4] =	stream.strided.gather [hbm4b:s5+s13], $0x100, s14, s13, $0x38;
	[tilespmem:$0x18200] =	vst v63  }
0x17: {  	_ = 	snop  }
0x18: {  	[tilespmem:s15], [sflag:$0x5] =	stream.strided.gather [hbm4b:s6+s13], $0x100, s14, s13, $0x38;
	[tilespmem:$0x18200] =	vst v63  }
0x19: {  	_ = 	snop  }
0x1a: {  	[tilespmem:s14], [sflag:$0x3] =	stream.linear.gather [hbm4b:s7+s4], $0x8000, $0x38;
	[tilespmem:$0x18200] =	vst v63  }
0x1b: {  	_ =	swait.ge [sflag:s16], $0x100  }
0x1c: {  	[sflag:s16] =	ssyncset.done $0x0  }
0x1d: {  	[sflag:s16] =	ssyncadd.s32 $0xFFFFFF00  }
0x1e: {  	[tilespmem:s17], [sflag:$0x1] =	stream.indirect.gather [hbm4b:s1+s13], $0x80, s4, s13, $0xb8;
	[tilespmem:$0x18200] =	vst v63  }
0x1f: {  	_ = 	snop  }
0x20: {  	[tilespmem:s18], [sflag:$0x1] =	stream.indirect.gather [hbm4b:s1+s13], $0x80, s13, s13, $0xb8;
	[tilespmem:$0x18200] =	vst v63  }
0x21: {  	_ =	swait.ge [sflag:s19], $0x100  }
0x22: {  	[sflag:s19] =	ssyncset.done $0x0  }
0x23: {  	[sflag:s19] =	ssyncadd.s32 $0xFFFFFF00  }
0x24: {  	[tilespmem:s20], [sflag:$0x2] =	stream.indirect.gather [hbm4b:s2+s13], $0x80, s15, s13, $0xb8;
	[tilespmem:$0x18200] =	vst v63  }
0x25: {  	_ = 	snop  }
0x26: {  	[tilespmem:s22], [sflag:$0x2] =	stream.indirect.gather [hbm4b:s2+s13], $0x80, s21, s13, $0xb8;
	[tilespmem:$0x18200] =	vst v63  }
0x27: {  	_ =	swait.ge [sflag:s23], $0x8000  }
0x28: {  	[sflag:s23] =	ssyncset.done $0x0  }
0x29: {  	[sflag:s23] =	ssyncadd.s32 $0xFFFF8000  }
0x2a: {  	_ =	swait.ge [sflag:s24], $0x4000  }
0x2b: {  	[sflag:s24] =	ssyncset.done $0x0  }
0x2c: {  	s30 =	simm.s32 $0x0;
	[sflag:s24] =	ssyncadd.s32 $0xFFFFC000  }
0x2d: {  	v2 =	vld [tilespmem:s30+$0x200]  }
0x2e: {  	v1 =	vld [tilespmem:s30+$0x210]  }
0x2f: {  	v3 =	vld [tilespmem:s30+$0x220]  }
0x30: {  	v0 =	vld [tilespmem:s30+$0x230]  }
0x31: {  	v4 =	vld [tilespmem:s30+$0x8200]  }
0x32: {  	v9 =	vld [tilespmem:s30+$0x8210]  }
0x33: {  	v8 =	vld [tilespmem:s30+$0x8220]  }
0x34: {  	v7 =	vld [tilespmem:s30+$0x8230]  }
0x35: {  	v6 =	vld [tilespmem:s30+$0x8240]  }
0x36: {  	v5 =	vld [tilespmem:s30+$0x8250];
	v10 =	vmul.f32 $1.131370830e+01, v4  }
0x37: {  	s31 =	simm.s32 $0x200;
	v11 =	vshll.u32 v2, $0x10;
	v9 =	vmul.f32 $1.131370830e+01, v9;
	v4 =	vld [tilespmem:s30+$0x8260]  }
.LBB2_2:
0x38: {  	s3 =	sshra.s32 s31, $0x2;
	p0 =	sne.s32 s31, $0xFE00;
	v12 =	vand.u32 $0xFFFF0000, v2;
	v10 =	vadd.f32 v11, v10;
	v8 =	vmul.f32 $1.131370830e+01, v8;
	v11 =	vld [tilespmem:s30+$0x8270]  }
0x39: {  	v2 =	vld [tilespmem:s3+$0x200];
	v9 =	vadd.f32 v12, v9;
	v12 =	vshll.u32 v1, $0x10;
	v7 =	vmul.f32 $1.131370830e+01, v7  }
0x3a: {  	[tilespmem:s30+$0x8200] =	vst v10;
	v10 =	vand.u32 $0xFFFF0000, v1;
	v1 =	vld [tilespmem:s3+$0x210];
	v8 =	vadd.f32 v12, v8;
	v6 =	vmul.f32 $1.131370830e+01, v6  }
0x3b: {  	v12 =	vld [tilespmem:s3+$0x220];
	[tilespmem:s30+$0x8210] =	vst v9;
	v7 =	vadd.f32 v10, v7;
	v9 =	vshll.u32 v3, $0x10;
	v5 =	vmul.f32 $1.131370830e+01, v5  }
0x3c: {  	v3 =	vand.u32 $0xFFFF0000, v3;
	v10 =	vld [tilespmem:s3+$0x230];
	[tilespmem:s30+$0x8220] =	vst v8;
	v6 =	vadd.f32 v9, v6;
	v4 =	vmul.f32 $1.131370830e+01, v4  }
0x3d: {  	v9 =	vld [tilespmem:s3+$0x8200];
	[tilespmem:s30+$0x8230] =	vst v7;
	v14 =	vadd.f32 v3, v5;
	v5 =	vshll.u32 v0, $0x10;
	v7 =	vmul.f32 $1.131370830e+01, v11  }
0x3e: {  	v0 =	vand.u32 $0xFFFF0000, v0;
	v13 =	vld [tilespmem:s3+$0x8210];
	[tilespmem:s30+$0x8240] =	vst v6;
	v4 =	vadd.f32 v5, v4  }
.Ltmp0:
0x3f: {  	v8 =	vld [tilespmem:s3+$0x8220];
	[tilespmem:s30+$0x8250] =	vst v14;
	v5 =	vadd.f32 v0, v7;
	(pc) =	sbr.rel @p0 .LBB2_2-.Ltmp0, $4  }
0x40: {  	v7 =	vld [tilespmem:s3+$0x8230];
	[tilespmem:s30+$0x8260] =	vst v4;
	v3 =	vmov v12  }
0x41: {  	v6 =	vld [tilespmem:s3+$0x8240];
	[tilespmem:s30+$0x8270] =	vst v5;
	v0 =	vmov v10;
	s30 =	smov.u32 s3  }
0x42: {  	v10 =	vmul.f32 $1.131370830e+01, v9;
	v5 =	vld [tilespmem:s30+$0x8250]  }
0x43: {  	s31 =	sadd.s32 $0x200, s31;
	v11 =	vshll.u32 v2, $0x10;
	v9 =	vmul.f32 $1.131370830e+01, v13;
	v4 =	vld [tilespmem:s30+$0x8260]  }
0x44: {  	v2 =	vand.u32 $0xFFFF0000, v2;
	v10 =	vadd.f32 v11, v10;
	v8 =	vmul.f32 $1.131370830e+01, v8;
	v11 =	vld [tilespmem:s30+$0x8270]  }
0x45: {  	v2 =	vadd.f32 v2, v9;
	v9 =	vshll.u32 v1, $0x10;
	v7 =	vmul.f32 $1.131370830e+01, v7  }
0x46: {  	v1 =	vand.u32 $0xFFFF0000, v1;
	[tilespmem:s30+$0x8200] =	vst v10;
	v8 =	vadd.f32 v9, v8;
	v6 =	vmul.f32 $1.131370830e+01, v6  }
0x47: {  	[tilespmem:s30+$0x8210] =	vst v2;
	v1 =	vadd.f32 v1, v7;
	v2 =	vshll.u32 v3, $0x10;
	v5 =	vmul.f32 $1.131370830e+01, v5  }
0x48: {  	v3 =	vand.u32 $0xFFFF0000, v3;
	[tilespmem:s30+$0x8220] =	vst v8;
	v2 =	vadd.f32 v2, v6;
	v4 =	vmul.f32 $1.131370830e+01, v4  }
0x49: {  	[tilespmem:s30+$0x8230] =	vst v1;
	v1 =	vadd.f32 v3, v5;
	v3 =	vshll.u32 v0, $0x10;
	v5 =	vmul.f32 $1.131370830e+01, v11  }
0x4a: {  	v0 =	vand.u32 $0xFFFF0000, v0;
	[tilespmem:s30+$0x8240] =	vst v2;
	v2 =	vadd.f32 v3, v4  }
0x4b: {  	[tilespmem:s30+$0x8250] =	vst v1;
	v0 =	vadd.f32 v0, v5  }
0x4c: {  	[tilespmem:s30+$0x8260] =	vst v2  }
0x4d: {  	s3 =	simm.s32 $0x0;
	[tilespmem:s30+$0x8270] =	vst v0  }
0x4e: {  	[hbm4b:s8+s3] =	stream.linear.scatter [tilespmem:s17], [sflag:$0x6], $0x4000, $0x38;
	[tilespmem:$0x18200] =	vst v63  }
0x4f: {  	_ =	swait.ge [sflag:s24], $0x4000  }
0x50: {  	[sflag:s24] =	ssyncset.done $0x0  }
0x51: {  	s30 =	simm.s32 $0x0;
	[sflag:s24] =	ssyncadd.s32 $0xFFFFC000  }
0x52: {  	v2 =	vld [tilespmem:s30+$0x4200]  }
0x53: {  	v1 =	vld [tilespmem:s30+$0x4210]  }
0x54: {  	v3 =	vld [tilespmem:s30+$0x4220]  }
0x55: {  	v0 =	vld [tilespmem:s30+$0x4230]  }
0x56: {  	v4 =	vld [tilespmem:s30+$0xC200]  }
0x57: {  	v9 =	vld [tilespmem:s30+$0xC210]  }
0x58: {  	v8 =	vld [tilespmem:s30+$0xC220]  }
0x59: {  	v7 =	vld [tilespmem:s30+$0xC230]  }
0x5a: {  	v6 =	vld [tilespmem:s30+$0xC240]  }
0x5b: {  	v5 =	vld [tilespmem:s30+$0xC250];
	v10 =	vmul.f32 $1.131370830e+01, v4  }
0x5c: {  	s31 =	simm.s32 $0x200;
	v11 =	vshll.u32 v2, $0x10;
	v9 =	vmul.f32 $1.131370830e+01, v9;
	v4 =	vld [tilespmem:s30+$0xC260]  }
.LBB2_4:
0x5d: {  	s3 =	sshra.s32 s31, $0x2;
	p0 =	sne.s32 s31, $0xFE00;
	v12 =	vand.u32 $0xFFFF0000, v2;
	v10 =	vadd.f32 v11, v10;
	v8 =	vmul.f32 $1.131370830e+01, v8;
	v11 =	vld [tilespmem:s30+$0xC270]  }
0x5e: {  	v2 =	vld [tilespmem:s3+$0x4200];
	v9 =	vadd.f32 v12, v9;
	v12 =	vshll.u32 v1, $0x10;
	v7 =	vmul.f32 $1.131370830e+01, v7  }
0x5f: {  	[tilespmem:s30+$0xC200] =	vst v10;
	v10 =	vand.u32 $0xFFFF0000, v1;
	v1 =	vld [tilespmem:s3+$0x4210];
	v8 =	vadd.f32 v12, v8;
	v6 =	vmul.f32 $1.131370830e+01, v6  }
0x60: {  	v12 =	vld [tilespmem:s3+$0x4220];
	[tilespmem:s30+$0xC210] =	vst v9;
	v7 =	vadd.f32 v10, v7;
	v9 =	vshll.u32 v3, $0x10;
	v5 =	vmul.f32 $1.131370830e+01, v5  }
0x61: {  	v3 =	vand.u32 $0xFFFF0000, v3;
	v10 =	vld [tilespmem:s3+$0x4230];
	[tilespmem:s30+$0xC220] =	vst v8;
	v6 =	vadd.f32 v9, v6;
	v4 =	vmul.f32 $1.131370830e+01, v4  }
0x62: {  	v9 =	vld [tilespmem:s3+$0xC200];
	[tilespmem:s30+$0xC230] =	vst v7;
	v14 =	vadd.f32 v3, v5;
	v5 =	vshll.u32 v0, $0x10;
	v7 =	vmul.f32 $1.131370830e+01, v11  }
0x63: {  	v0 =	vand.u32 $0xFFFF0000, v0;
	v13 =	vld [tilespmem:s3+$0xC210];
	[tilespmem:s30+$0xC240] =	vst v6;
	v4 =	vadd.f32 v5, v4  }
.Ltmp1:
0x64: {  	v8 =	vld [tilespmem:s3+$0xC220];
	[tilespmem:s30+$0xC250] =	vst v14;
	v5 =	vadd.f32 v0, v7;
	(pc) =	sbr.rel @p0 .LBB2_4-.Ltmp1, $4  }
0x65: {  	v7 =	vld [tilespmem:s3+$0xC230];
	[tilespmem:s30+$0xC260] =	vst v4;
	v3 =	vmov v12  }
0x66: {  	v6 =	vld [tilespmem:s3+$0xC240];
	[tilespmem:s30+$0xC270] =	vst v5;
	v0 =	vmov v10;
	s30 =	smov.u32 s3  }
0x67: {  	v10 =	vmul.f32 $1.131370830e+01, v9;
	v5 =	vld [tilespmem:s30+$0xC250]  }
0x68: {  	s31 =	sadd.s32 $0x200, s31;
	v11 =	vshll.u32 v2, $0x10;
	v9 =	vmul.f32 $1.131370830e+01, v13;
	v4 =	vld [tilespmem:s30+$0xC260]  }
0x69: {  	v2 =	vand.u32 $0xFFFF0000, v2;
	v10 =	vadd.f32 v11, v10;
	v8 =	vmul.f32 $1.131370830e+01, v8;
	v11 =	vld [tilespmem:s30+$0xC270]  }
0x6a: {  	v2 =	vadd.f32 v2, v9;
	v9 =	vshll.u32 v1, $0x10;
	v7 =	vmul.f32 $1.131370830e+01, v7  }
0x6b: {  	v1 =	vand.u32 $0xFFFF0000, v1;
	[tilespmem:s30+$0xC200] =	vst v10;
	v8 =	vadd.f32 v9, v8;
	v6 =	vmul.f32 $1.131370830e+01, v6  }
0x6c: {  	[tilespmem:s30+$0xC210] =	vst v2;
	v1 =	vadd.f32 v1, v7;
	v2 =	vshll.u32 v3, $0x10;
	v5 =	vmul.f32 $1.131370830e+01, v5  }
0x6d: {  	v3 =	vand.u32 $0xFFFF0000, v3;
	[tilespmem:s30+$0xC220] =	vst v8;
	v2 =	vadd.f32 v2, v6;
	v4 =	vmul.f32 $1.131370830e+01, v4  }
0x6e: {  	[tilespmem:s30+$0xC230] =	vst v1;
	v1 =	vadd.f32 v3, v5;
	v3 =	vshll.u32 v0, $0x10;
	v5 =	vmul.f32 $1.131370830e+01, v11  }
0x6f: {  	v0 =	vand.u32 $0xFFFF0000, v0;
	[tilespmem:s30+$0xC240] =	vst v2;
	v2 =	vadd.f32 v3, v4  }
0x70: {  	[tilespmem:s30+$0xC250] =	vst v1;
	v0 =	vadd.f32 v0, v5  }
0x71: {  	[tilespmem:s30+$0xC260] =	vst v2  }
0x72: {  	s3 =	simm.s32 $0x0;
	[tilespmem:s30+$0xC270] =	vst v0  }
0x73: {  	[hbm4b:s9+s3] =	stream.linear.scatter [tilespmem:s18], [sflag:$0x6], $0x4000, $0x38;
	[tilespmem:$0x18200] =	vst v63  }
0x74: {  	_ =	swait.ge [sflag:s25], $0x4000  }
0x75: {  	[sflag:s25] =	ssyncset.done $0x0  }
0x76: {  	s30 =	simm.s32 $0x0;
	[sflag:s25] =	ssyncadd.s32 $0xFFFFC000  }
0x77: {  	v2 =	vld [tilespmem:s30+$0x200]  }
0x78: {  	v1 =	vld [tilespmem:s30+$0x210]  }
0x79: {  	v3 =	vld [tilespmem:s30+$0x220]  }
0x7a: {  	v0 =	vld [tilespmem:s30+$0x230]  }
0x7b: {  	v4 =	vld [tilespmem:s30+$0x10200]  }
0x7c: {  	v9 =	vld [tilespmem:s30+$0x10210]  }
0x7d: {  	v8 =	vld [tilespmem:s30+$0x10220]  }
0x7e: {  	v7 =	vld [tilespmem:s30+$0x10230]  }
0x7f: {  	v6 =	vld [tilespmem:s30+$0x10240]  }
0x80: {  	v5 =	vld [tilespmem:s30+$0x10250];
	v10 =	vmul.f32 $1.131370830e+01, v4  }
0x81: {  	s31 =	simm.s32 $0x200;
	v11 =	vshll.u32 v2, $0x10;
	v9 =	vmul.f32 $1.131370830e+01, v9;
	v4 =	vld [tilespmem:s30+$0x10260]  }
.LBB2_6:
0x82: {  	s3 =	sshra.s32 s31, $0x2;
	p0 =	sne.s32 s31, $0xFE00;
	v12 =	vand.u32 $0xFFFF0000, v2;
	v10 =	vadd.f32 v11, v10;
	v8 =	vmul.f32 $1.131370830e+01, v8;
	v11 =	vld [tilespmem:s30+$0x10270]  }
0x83: {  	v2 =	vld [tilespmem:s3+$0x200];
	v9 =	vadd.f32 v12, v9;
	v12 =	vshll.u32 v1, $0x10;
	v7 =	vmul.f32 $1.131370830e+01, v7  }
0x84: {  	[tilespmem:s30+$0x10200] =	vst v10;
	v10 =	vand.u32 $0xFFFF0000, v1;
	v1 =	vld [tilespmem:s3+$0x210];
	v8 =	vadd.f32 v12, v8;
	v6 =	vmul.f32 $1.131370830e+01, v6  }
0x85: {  	v12 =	vld [tilespmem:s3+$0x220];
	[tilespmem:s30+$0x10210] =	vst v9;
	v7 =	vadd.f32 v10, v7;
	v9 =	vshll.u32 v3, $0x10;
	v5 =	vmul.f32 $1.131370830e+01, v5  }
0x86: {  	v3 =	vand.u32 $0xFFFF0000, v3;
	v10 =	vld [tilespmem:s3+$0x230];
	[tilespmem:s30+$0x10220] =	vst v8;
	v6 =	vadd.f32 v9, v6;
	v4 =	vmul.f32 $1.131370830e+01, v4  }
0x87: {  	v9 =	vld [tilespmem:s3+$0x10200];
	[tilespmem:s30+$0x10230] =	vst v7;
	v14 =	vadd.f32 v3, v5;
	v5 =	vshll.u32 v0, $0x10;
	v7 =	vmul.f32 $1.131370830e+01, v11  }
0x88: {  	v0 =	vand.u32 $0xFFFF0000, v0;
	v13 =	vld [tilespmem:s3+$0x10210];
	[tilespmem:s30+$0x10240] =	vst v6;
	v4 =	vadd.f32 v5, v4  }
.Ltmp2:
0x89: {  	v8 =	vld [tilespmem:s3+$0x10220];
	[tilespmem:s30+$0x10250] =	vst v14;
	v5 =	vadd.f32 v0, v7;
	(pc) =	sbr.rel @p0 .LBB2_6-.Ltmp2, $4  }
0x8a: {  	v7 =	vld [tilespmem:s3+$0x10230];
	[tilespmem:s30+$0x10260] =	vst v4;
	v3 =	vmov v12  }
0x8b: {  	v6 =	vld [tilespmem:s3+$0x10240];
	[tilespmem:s30+$0x10270] =	vst v5;
	v0 =	vmov v10;
	s30 =	smov.u32 s3  }
0x8c: {  	v10 =	vmul.f32 $1.131370830e+01, v9;
	v5 =	vld [tilespmem:s30+$0x10250]  }
0x8d: {  	s31 =	sadd.s32 $0x200, s31;
	v11 =	vshll.u32 v2, $0x10;
	v9 =	vmul.f32 $1.131370830e+01, v13;
	v4 =	vld [tilespmem:s30+$0x10260]  }
0x8e: {  	v2 =	vand.u32 $0xFFFF0000, v2;
	v10 =	vadd.f32 v11, v10;
	v8 =	vmul.f32 $1.131370830e+01, v8;
	v11 =	vld [tilespmem:s30+$0x10270]  }
0x8f: {  	v2 =	vadd.f32 v2, v9;
	v9 =	vshll.u32 v1, $0x10;
	v7 =	vmul.f32 $1.131370830e+01, v7  }
0x90: {  	v1 =	vand.u32 $0xFFFF0000, v1;
	[tilespmem:s30+$0x10200] =	vst v10;
	v8 =	vadd.f32 v9, v8;
	v6 =	vmul.f32 $1.131370830e+01, v6  }
0x91: {  	[tilespmem:s30+$0x10210] =	vst v2;
	v1 =	vadd.f32 v1, v7;
	v2 =	vshll.u32 v3, $0x10;
	v5 =	vmul.f32 $1.131370830e+01, v5  }
0x92: {  	v3 =	vand.u32 $0xFFFF0000, v3;
	[tilespmem:s30+$0x10220] =	vst v8;
	v2 =	vadd.f32 v2, v6;
	v4 =	vmul.f32 $1.131370830e+01, v4  }
0x93: {  	[tilespmem:s30+$0x10230] =	vst v1;
	v1 =	vadd.f32 v3, v5;
	v3 =	vshll.u32 v0, $0x10;
	v5 =	vmul.f32 $1.131370830e+01, v11  }
0x94: {  	v0 =	vand.u32 $0xFFFF0000, v0;
	[tilespmem:s30+$0x10240] =	vst v2;
	v2 =	vadd.f32 v3, v4  }
0x95: {  	[tilespmem:s30+$0x10250] =	vst v1;
	v0 =	vadd.f32 v0, v5  }
0x96: {  	[tilespmem:s30+$0x10260] =	vst v2  }
0x97: {  	s3 =	simm.s32 $0x0;
	[tilespmem:s30+$0x10270] =	vst v0  }
0x98: {  	[hbm4b:s10+s3] =	stream.linear.scatter [tilespmem:s20], [sflag:$0x7], $0x4000, $0x38;
	[tilespmem:$0x18200] =	vst v63  }
0x99: {  	_ =	swait.ge [sflag:s25], $0x4000  }
0x9a: {  	[sflag:s25] =	ssyncset.done $0x0  }
0x9b: {  	s30 =	simm.s32 $0x0;
	[sflag:s25] =	ssyncadd.s32 $0xFFFFC000  }
0x9c: {  	v2 =	vld [tilespmem:s30+$0x4200]  }
0x9d: {  	v1 =	vld [tilespmem:s30+$0x4210]  }
0x9e: {  	v3 =	vld [tilespmem:s30+$0x4220]  }
0x9f: {  	v0 =	vld [tilespmem:s30+$0x4230]  }
0xa0: {  	v4 =	vld [tilespmem:s30+$0x14200]  }
0xa1: {  	v9 =	vld [tilespmem:s30+$0x14210]  }
0xa2: {  	v8 =	vld [tilespmem:s30+$0x14220]  }
0xa3: {  	v7 =	vld [tilespmem:s30+$0x14230]  }
0xa4: {  	v6 =	vld [tilespmem:s30+$0x14240]  }
0xa5: {  	v5 =	vld [tilespmem:s30+$0x14250];
	v10 =	vmul.f32 $1.131370830e+01, v4  }
0xa6: {  	s31 =	simm.s32 $0x200;
	v11 =	vshll.u32 v2, $0x10;
	v9 =	vmul.f32 $1.131370830e+01, v9;
	v4 =	vld [tilespmem:s30+$0x14260]  }
.LBB2_8:
0xa7: {  	s3 =	sshra.s32 s31, $0x2;
	p0 =	sne.s32 s31, $0xFE00;
	v12 =	vand.u32 $0xFFFF0000, v2;
	v10 =	vadd.f32 v11, v10;
	v8 =	vmul.f32 $1.131370830e+01, v8;
	v11 =	vld [tilespmem:s30+$0x14270]  }
0xa8: {  	v2 =	vld [tilespmem:s3+$0x4200];
	v9 =	vadd.f32 v12, v9;
	v12 =	vshll.u32 v1, $0x10;
	v7 =	vmul.f32 $1.131370830e+01, v7  }
0xa9: {  	[tilespmem:s30+$0x14200] =	vst v10;
	v10 =	vand.u32 $0xFFFF0000, v1;
	v1 =	vld [tilespmem:s3+$0x4210];
	v8 =	vadd.f32 v12, v8;
	v6 =	vmul.f32 $1.131370830e+01, v6  }
0xaa: {  	v12 =	vld [tilespmem:s3+$0x4220];
	[tilespmem:s30+$0x14210] =	vst v9;
	v7 =	vadd.f32 v10, v7;
	v9 =	vshll.u32 v3, $0x10;
	v5 =	vmul.f32 $1.131370830e+01, v5  }
0xab: {  	v3 =	vand.u32 $0xFFFF0000, v3;
	v10 =	vld [tilespmem:s3+$0x4230];
	[tilespmem:s30+$0x14220] =	vst v8;
	v6 =	vadd.f32 v9, v6;
	v4 =	vmul.f32 $1.131370830e+01, v4  }
0xac: {  	v9 =	vld [tilespmem:s3+$0x14200];
	[tilespmem:s30+$0x14230] =	vst v7;
	v14 =	vadd.f32 v3, v5;
	v5 =	vshll.u32 v0, $0x10;
	v7 =	vmul.f32 $1.131370830e+01, v11  }
0xad: {  	v0 =	vand.u32 $0xFFFF0000, v0;
	v13 =	vld [tilespmem:s3+$0x14210];
	[tilespmem:s30+$0x14240] =	vst v6;
	v4 =	vadd.f32 v5, v4  }
.Ltmp3:
0xae: {  	v8 =	vld [tilespmem:s3+$0x14220];
	[tilespmem:s30+$0x14250] =	vst v14;
	v5 =	vadd.f32 v0, v7;
	(pc) =	sbr.rel @p0 .LBB2_8-.Ltmp3, $4  }
0xaf: {  	v7 =	vld [tilespmem:s3+$0x14230];
	[tilespmem:s30+$0x14260] =	vst v4;
	v3 =	vmov v12  }
0xb0: {  	v6 =	vld [tilespmem:s3+$0x14240];
	[tilespmem:s30+$0x14270] =	vst v5;
	v0 =	vmov v10;
	s30 =	smov.u32 s3  }
0xb1: {  	v10 =	vmul.f32 $1.131370830e+01, v9;
	v5 =	vld [tilespmem:s30+$0x14250]  }
0xb2: {  	s31 =	sadd.s32 $0x200, s31;
	v11 =	vshll.u32 v2, $0x10;
	v9 =	vmul.f32 $1.131370830e+01, v13;
	v4 =	vld [tilespmem:s30+$0x14260]  }
0xb3: {  	v2 =	vand.u32 $0xFFFF0000, v2;
	v10 =	vadd.f32 v11, v10;
	v8 =	vmul.f32 $1.131370830e+01, v8;
	v54 =	vld [tilespmem:s30+$0x14270]  }
0xb4: {  	v55 =	vshll.u32 v1, $0x10;
	v2 =	vadd.f32 v2, v9;
	v7 =	vmul.f32 $1.131370830e+01, v7  }
0xb5: {  	v56 =	vand.u32 $0xFFFF0000, v1;
	[tilespmem:s30+$0x14200] =	vst v10;
	v8 =	vadd.f32 v55, v8;
	v6 =	vmul.f32 $1.131370830e+01, v6  }
0xb6: {  	v57 =	vshll.u32 v3, $0x10;
	[tilespmem:s30+$0x14210] =	vst v2;
	v1 =	vadd.f32 v56, v7;
	v5 =	vmul.f32 $1.131370830e+01, v5  }
0xb7: {  	v58 =	vand.u32 $0xFFFF0000, v3;
	[tilespmem:s30+$0x14220] =	vst v8;
	v2 =	vadd.f32 v57, v6;
	v4 =	vmul.f32 $1.131370830e+01, v4  }
0xb8: {  	v60 =	vshll.u32 v0, $0x10;
	[tilespmem:s30+$0x14230] =	vst v1;
	v59 =	vadd.f32 v58, v5;
	v61 =	vmul.f32 $1.131370830e+01, v54  }
0xb9: {  	v62 =	vand.u32 $0xFFFF0000, v0;
	[tilespmem:s30+$0x14240] =	vst v2;
	v63 =	vadd.f32 v60, v4  }
0xba: {  	[tilespmem:s30+$0x14250] =	vst v59;
	v0 =	vadd.f32 v62, v61  }
0xbb: {  	[tilespmem:s30+$0x14260] =	vst v63  }
0xbc: {  	[tilespmem:s30+$0x14270] =	vst v0  }
0xbd: {  	[hbm4b:s11+s4] =	stream.linear.scatter [tilespmem:s22], [sflag:$0x7], $0x4000, $0x38;
	[tilespmem:$0x18200] =	vst v63  }
0xbe: {  	_ =	swait.ge [sflag:s26], $0x4000  }
0xbf: {  	[sflag:s26] =	ssyncset.done $0x0  }
0xc0: {  	[sflag:s26] =	ssyncadd.s32 $0xFFFFC000  }
0xc1: {  	_ =	swait.ge [sflag:s26], $0x4000  }
0xc2: {  	[sflag:s26] =	ssyncset.done $0x0  }
0xc3: {  	s29 =	sadd.s32 $0x1, s29;
	[sflag:s26] =	ssyncadd.s32 $0xFFFFC000  }
0xc4: {  	p0 =	sne.s32 s29, s12;
	_ =	swait.ge [sflag:s28], $0x4000  }
.Ltmp4:
0xc5: {  	[sflag:s28] =	ssyncset.done $0x0;
	(pc) =	sbr.rel @p0 .LBB2_1-.Ltmp4, $4  }
0xc6: {  	[sflag:s28] =	ssyncadd.s32 $0xFFFFC000  }
0xc7: {  	_ =	swait.ge [sflag:s28], $0x4000  }
0xc8: {  	[sflag:s28] =	ssyncset.done $0x0  }
0xc9: {  	[sflag:s28] =	ssyncadd.s32 $0xFFFFC000  }
0xca: {  	_ =	sfence.sel $0x180000  }
0xcb: {  	[bflag:$0x0] =	sbarrier.arrive $0xFFFF  }
0xcc: {  	_ =	strace $0x90000047  }
0xcd: {  	[bflag:$0x2] =	sbarrier.arrive $0xFFFF  }
0xce: {  	p0 =	sne.s32 s0, $0x0;
	s0 =	rddreg [dreg:$0x7]  }
0xcf: {  	s0 =	sadd.s32 @!p0 $0x100000, s0  }
0xd0: {  	[sflag:s0] =	ssyncadd.tile.s32 @!p0 $0x1;
	_ =	shalt  }
.Lfunc_end2:
_tile_overlayer_lowered:
.L_overlay_start_2:
0xd1: {  	(tag) =	ssettag $0x2  }
0xd2: {  	s0 =	rddreg [dreg:$0x0];
	s2 =	stileid.u32  }
0xd3: {  	s1 =	rddreg [dreg:$0x1];
	p0 =	sne.s32 s2, $0x0  }
0xd4: {  	s3 =	rddreg [dreg:$0x2];
	[bflag:$0x3] =	sbarrier.arrive $0xFFFF;
	s2 =	simm.s32 @!p0 $0x1C08  }
0xd5: {  	[timem:s3], [sflag:s2] =	dma.local @!p0 [hbm:s0], s1  }
0xd6: {  	s0 =	simm.s32 @!p0 $0x8  }
0xd7: {  	_ =	swait.ge @!p0 [sflag:s0], s1  }
0xd8: {  	s1 =	ssub.s32 @!p0 $0x0, s1;
	[sflag:s0] =	ssyncset.done @!p0 $0x0  }
0xd9: {  	[sflag:s0] =	ssyncadd.s32 @!p0 s1  }
0xda: {  	[bflag:$0x3] =	sbarrier.arrive $0xFFFF  }
0xdb: {  	_ =	shalt  }

</sc_bundles>
